<compile_context>
chip_gen: v7x
topology: tpu7x:2x2x1
jax: 0.10.2.dev20260603
libtpu: 0.0.44.dev20260713+nightly
codegen_flags: <defaults>
</compile_context>

<pallas_src>
import functools

import jax
import jax.numpy as jnp
from jax.experimental import pallas as pl
from jax.experimental.pallas import tpu as pltpu
from jax.experimental.pallas import tpu_sc as plsc

_B = 2
_P = 12000
_N = 100
_CI = 10
_CO = 64
_ROW = 128
_G = 500
_CELLS = _G * _G

_TP = 96
_NT = _P // _TP

_CHUNK = 120
_NCHUNK = _P // _CHUNK

_MZ = 25000
_NMZ = _CELLS // _MZ


def _encode_body(u_ref, w_ref, pmax_ref, mom_ref):
    u = u_ref[0]
    w = w_ref[...]
    x = jax.lax.dot_general(w, u, (((1,), (0,)), ((), ())),
                            preferred_element_type=jnp.float32)
    sx = jnp.sum(x, axis=1)
    sx2 = jnp.sum(x * x, axis=1)
    mom_ref[0, 0] = jnp.stack([sx, sx2], axis=0)
    x3 = x.reshape(_CO, _TP, _N)
    pmax = jnp.max(x3, axis=-1)
    pmax_ref[0] = pmax.T


def _affine_body(pmax_ref, ab_ref, pidx_ref, ep_ref, ling_ref, linl_ref):
    b = pl.program_id(0)
    a = ab_ref[0, 0]
    bb = ab_ref[0, 1]
    ep = jnp.maximum(pmax_ref[0] * a[None, :] + bb[None, :], 0.0)
    ep_ref[0] = jnp.concatenate(
        [ep, jnp.zeros((_P, _ROW - _CO), jnp.float32)], axis=1)
    r = pidx_ref[0, 0, :]
    c = pidx_ref[0, 1, :]
    lin = r * _G + c
    linl_ref[0, 0] = lin
    ling_ref[0, 0] = lin + b * _CELLS


def _bev_body(NC, ep_hbm, ling_hbm, linl_hbm, ones_hbm, zeros_hbm,
              bev_hbm, mark_hbm, idxg_v, idxl_v, rows_v, rows_w, ones_v,
              zeros_v, sem_a, sem_b, sem_m, mark_sh):
    wid = jax.lax.axis_index("s") * NC + jax.lax.axis_index("c")
    for b in range(_B):
        @pl.when(wid == b)
        def _scatter():
            pltpu.sync_copy(zeros_hbm, zeros_v)

            def zchunk(k, carry):
                pltpu.sync_copy(zeros_v, mark_sh.at[pl.ds(k * _MZ, _MZ)])
                return carry

            jax.lax.fori_loop(0, _NMZ, zchunk, 0)

            pltpu.sync_copy(ones_hbm, ones_v)
            pltpu.sync_copy(ling_hbm.at[b], idxg_v)
            pltpu.sync_copy(linl_hbm.at[b], idxl_v)

            def ep_src(j):
                return ep_hbm.at[pl.ds(b * _P + j * _CHUNK, _CHUNK)]

            pltpu.async_copy(ep_src(0), rows_v, sem_a)

            def chunk2(t, carry):
                j0 = 2 * t
                j1 = 2 * t + 1
                pltpu.make_async_copy(ep_src(j0), rows_v, sem_a).wait()
                pltpu.async_copy(ep_src(j1), rows_w, sem_b)
                pltpu.sync_copy(rows_v, bev_hbm.at[idxg_v.at[j0]])
                pltpu.async_copy(ones_v, mark_sh.at[idxl_v.at[j0]], sem_m,
                                 add=True)
                pltpu.make_async_copy(ep_src(j1), rows_w, sem_b).wait()

                @pl.when(t < _NCHUNK // 2 - 1)
                def _pref():
                    pltpu.async_copy(ep_src(j1 + 1), rows_v, sem_a)

                pltpu.sync_copy(rows_w, bev_hbm.at[idxg_v.at[j1]])
                pltpu.async_copy(ones_v, mark_sh.at[idxl_v.at[j1]], sem_m,
                                 add=True)
                return carry

            jax.lax.fori_loop(0, _NCHUNK // 2, chunk2, 0)

            def mdrain(j, carry):
                pltpu.make_async_copy(
                    ones_v, mark_sh.at[idxl_v.at[j]], sem_m).wait()
                return carry

            jax.lax.fori_loop(0, _NCHUNK, mdrain, 0)

            def mdump(k, carry):
                pltpu.sync_copy(mark_sh.at[pl.ds(k * _MZ, _MZ)], zeros_v)
                pltpu.sync_copy(
                    zeros_v, mark_hbm.at[pl.ds(b * _CELLS + k * _MZ, _MZ)])
                return carry

            jax.lax.fori_loop(0, _NMZ, mdump, 0)


def _relayout_body(cm_ref, mark_ref, out_ref):
    m = mark_ref[0, 0]
    v = cm_ref[0, :, :_CO]
    x = jnp.where(m != 0, v.T, 0.0)
    out_ref[0, :, 0] = x.reshape(_CO, 4, _G)


def kernel(input_tensor, pillar_idxs, conv_w, bn_gamma, bn_beta):
    u_flat = input_tensor.reshape(_B, _CI, _P * _N)

    pmax_cm, mom = pl.pallas_call(
        _encode_body,
        grid=(_B, _NT),
        in_specs=[
            pl.BlockSpec((1, _CI, _TP * _N), lambda b, t: (b, 0, t)),
            pl.BlockSpec((_CO, _CI), lambda b, t: (0, 0)),
        ],
        out_specs=[
            pl.BlockSpec((1, _TP, _CO), lambda b, t: (b, t, 0)),
            pl.BlockSpec((1, 1, 2, _CO), lambda b, t: (b, t, 0, 0)),
        ],
        out_shape=[
            jax.ShapeDtypeStruct((_B, _P, _CO), jnp.float32),
            jax.ShapeDtypeStruct((_B, _NT, 2, _CO), jnp.float32),
        ],
    )(u_flat, conv_w)

    sums = jnp.sum(mom, axis=(0, 1))
    n_tot = float(_B * _P * _N)
    mean = sums[0] / n_tot
    var = sums[1] / n_tot - mean * mean
    a = bn_gamma * jax.lax.rsqrt(var + 1e-5)
    b = bn_beta - mean * a
    ab = jnp.stack([a, b], axis=0)[None]

    pidx_t = jnp.swapaxes(pillar_idxs, 1, 2)

    ep_cm, ling, linl = pl.pallas_call(
        _affine_body,
        grid=(_B,),
        in_specs=[
            pl.BlockSpec((1, _P, _CO), lambda b: (b, 0, 0)),
            pl.BlockSpec((1, 2, _CO), lambda b: (0, 0, 0)),
            pl.BlockSpec((1, 2, _P), lambda b: (b, 0, 0)),
        ],
        out_specs=[
            pl.BlockSpec((1, _P, _ROW), lambda b: (b, 0, 0)),
            pl.BlockSpec((1, 1, _P), lambda b: (b, 0, 0)),
            pl.BlockSpec((1, 1, _P), lambda b: (b, 0, 0)),
        ],
        out_shape=[
            jax.ShapeDtypeStruct((_B, _P, _ROW), jnp.float32),
            jax.ShapeDtypeStruct((_B, 1, _P), jnp.int32),
            jax.ShapeDtypeStruct((_B, 1, _P), jnp.int32),
        ],
    )(pmax_cm, ab, pidx_t)

    ep_flat = ep_cm.reshape(_B * _P, _ROW)
    ling3 = ling.reshape(_B, _NCHUNK, _CHUNK)
    linl3 = linl.reshape(_B, _NCHUNK, _CHUNK)
    ones_src = jnp.ones((_CHUNK,), dtype=jnp.int32)
    zeros_src = jnp.zeros((_MZ,), dtype=jnp.int32)

    info = plsc.get_sparse_core_info()
    NC = info.num_cores
    mesh = plsc.VectorSubcoreMesh(core_axis_name="c", subcore_axis_name="s")

    bev_cm, mark = pl.kernel(
        functools.partial(_bev_body, NC),
        mesh=mesh,
        out_type=[
            jax.ShapeDtypeStruct((_B * _CELLS, _ROW), jnp.float32),
            jax.ShapeDtypeStruct((_B * _CELLS,), jnp.int32),
        ],
        scratch_types=[
            pltpu.VMEM((_NCHUNK, _CHUNK), jnp.int32),
            pltpu.VMEM((_NCHUNK, _CHUNK), jnp.int32),
            pltpu.VMEM((_CHUNK, _ROW), jnp.float32),
            pltpu.VMEM((_CHUNK, _ROW), jnp.float32),
            pltpu.VMEM((_CHUNK,), jnp.int32),
            pltpu.VMEM((_MZ,), jnp.int32),
            pltpu.SemaphoreType.DMA,
            pltpu.SemaphoreType.DMA,
            pltpu.SemaphoreType.DMA,
            pltpu.VMEM_SHARED((_CELLS,), jnp.int32),
        ],
    )(ep_flat, ling3, linl3, ones_src, zeros_src)

    bev_cm3 = bev_cm.reshape(_B, _CELLS, _ROW)
    mark4 = mark.reshape(_B, 125, 1, 2000)

    out5 = pl.pallas_call(
        _relayout_body,
        grid=(_B, 125),
        in_specs=[
            pl.BlockSpec((1, 2000, _ROW), lambda b, r: (b, r, 0)),
            pl.BlockSpec((1, 1, 1, 2000), lambda b, r: (b, r, 0, 0)),
        ],
        out_specs=pl.BlockSpec((1, _CO, 1, 4, _G), lambda b, r: (b, 0, r, 0, 0)),
        out_shape=jax.ShapeDtypeStruct((_B, _CO, 125, 4, _G), jnp.float32),
    )(bev_cm3, mark4)

    return out5.reshape(_B, _CO, _G, _G)

# --- scband reference (transcript-rebuilt; emitter-appended) ---
"""Pipeline reference for scband-pfnv2-70300024701367 (READ-ONLY COPY).

The authoritative reference and input builder live on the scoring server;
editing this copy changes nothing except your own understanding.
"""

import jax, jax.numpy as jnp
import numpy as np

B = 2
MAX_PILLARS = 12000
MAX_PTS = 100
C_IN = 10
C_OUT = 64
GRID = 500


def setup_inputs(seed: int = 0) -> dict:
    key = jax.random.key(seed)
    k1, k2, k3 = jax.random.split(key, 3)
    input_tensor = jax.random.normal(k1, (B, C_IN, MAX_PILLARS, MAX_PTS), dtype=jnp.float32)
    pillar_idxs = jax.random.randint(k2, (B, MAX_PILLARS, 2), 0, GRID, dtype=jnp.int32)
    # conv1: nn.Conv2d(10, 64, kernel_size=1, bias=False) -> weight [64, 10]
    conv_w = jax.random.normal(k3, (C_OUT, C_IN), dtype=jnp.float32) * (1.0 / np.sqrt(C_IN))
    # bn1 affine params (training-mode batch statistics are used below)
    bn_gamma = jnp.ones((C_OUT,), dtype=jnp.float32)
    bn_beta = jnp.zeros((C_OUT,), dtype=jnp.float32)
    return {"input_tensor": input_tensor, "pillar_idxs": pillar_idxs,
            "conv_w": conv_w, "bn_gamma": bn_gamma, "bn_beta": bn_beta}


def reference(input_tensor, pillar_idxs, conv_w, bn_gamma, bn_beta):
    # 1x1 conv over (pillar, point) grid == per-point linear map 10 -> 64
    x = jnp.einsum('oc,bcpn->bopn', conv_w, input_tensor)
    # BatchNorm2d in training mode (module calls bn1 inside forward with track_running_stats)
    mean = jnp.mean(x, axis=(0, 2, 3), keepdims=True)
    var = jnp.var(x, axis=(0, 2, 3), keepdims=True)
    x = (x - mean) / jnp.sqrt(var + 1e-5)
    x = x * bn_gamma.reshape(1, -1, 1, 1) + bn_beta.reshape(1, -1, 1, 1)
    x = jax.nn.relu(x)
    # max over points within each pillar -> encoded pillars [B, 64, P]
    encoded_pillars = jnp.max(x, axis=-1)
    # scatter (overwrite) encoded pillars into the 500x500 BEV canvas
    def scatter_one(ep, idx):
        bev = jnp.zeros((C_OUT, GRID, GRID), dtype=ep.dtype)
        return bev.at[:, idx[:, 0], idx[:, 1]].set(ep)
    encoded_bev = jax.vmap(scatter_one)(encoded_pillars, pillar_idxs)
    return encoded_bev

if __name__ == "__main__":
    import jax
    _d = setup_inputs()
    print(jax.jit(kernel)(*tuple(_d.values())))

</pallas_src>

<mosaic_0001>
#map = affine_map<(d0, d1) -> (0, 0)>
#map1 = affine_map<(d0, d1) -> (0, 0, 0)>
#map2 = affine_map<(d0, d1) -> (0)>
module attributes {stable_mosaic.version = 14 : i64} {
  func.func @_bev_body(%arg0: i32, %arg1: i32, %arg2: memref<24000x128xf32, #tpu.memory_space<hbm>>, %arg3: memref<2x100x120xi32, #tpu.memory_space<hbm>>, %arg4: memref<2x100x120xi32, #tpu.memory_space<hbm>>, %arg5: memref<120xi32, #tpu.memory_space<hbm>>, %arg6: memref<25000xi32, #tpu.memory_space<hbm>>, %arg7: memref<500000x128xf32, #tpu.memory_space<hbm>>, %arg8: memref<500000xi32, #tpu.memory_space<hbm>>, %arg9: memref<100x120xi32, #tpu.memory_space<vmem>>, %arg10: memref<100x120xi32, #tpu.memory_space<vmem>>, %arg11: memref<120x128xf32, #tpu.memory_space<vmem>>, %arg12: memref<120x128xf32, #tpu.memory_space<vmem>>, %arg13: memref<120xi32, #tpu.memory_space<vmem>>, %arg14: memref<25000xi32, #tpu.memory_space<vmem>>, %arg15: memref<!tpu.dma_semaphore, #tpu.memory_space<semaphore_mem>>, %arg16: memref<!tpu.dma_semaphore, #tpu.memory_space<semaphore_mem>>, %arg17: memref<!tpu.dma_semaphore, #tpu.memory_space<semaphore_mem>>, %arg18: memref<250000xi32, #tpu.memory_space<vmem_shared>>) attributes {dimension_semantics = [#tpu.dimension_semantics<core_parallel>, #tpu.dimension_semantics<subcore_parallel>], iteration_bounds = array<i64: 2, 16>, scalar_prefetch = 0 : i64, scratch_operands = 10 : i64, tpu.core_type = #tpu.core_type<sc_vector_subcore>, window_params = [{transform_indices = #map}, {transform_indices = #map1}, {transform_indices = #map1}, {transform_indices = #map2}, {transform_indices = #map2}, {transform_indices = #map}, {transform_indices = #map2}]} {
    %mul3A = arith.constant 2 : i32
    %mul3A_0 = arith.muli %arg1, %mul3A : i32
    %add3A = arith.addi %mul3A_0, %arg0 : i32
    %eq3A = arith.constant 0 : i32
    %eq3A_1 = arith.cmpi eq, %add3A, %eq3A : i32
    %convert_element_type3A = arith.extui %eq3A_1 : i1 to i32
    %cond3A = arith.constant 0 : i32
    %cond3A_2 = arith.cmpi ne, %convert_element_type3A, %cond3A : i32
    scf.if %cond3A_2 {
      "tpu.region"() ({
        %run_scoped3A_37 = tpu.sem_alloc : memref<!tpu.dma_semaphore, #tpu.memory_space<semaphore_mem>>
        tpu.enqueue_dma source(%arg6 : memref<25000xi32, #tpu.memory_space<hbm>>) target(%arg14 : memref<25000xi32, #tpu.memory_space<vmem>>) target_semaphore(%run_scoped3A_37 : memref<!tpu.dma_semaphore, #tpu.memory_space<semaphore_mem>>)
        tpu.wait_dma2 semaphore(%run_scoped3A_37 : memref<!tpu.dma_semaphore, #tpu.memory_space<semaphore_mem>>) src(%arg6 : memref<25000xi32, #tpu.memory_space<hbm>>) dst(%arg14 : memref<25000xi32, #tpu.memory_space<vmem>>)
        tpu.yield
      }) : () -> ()
      %scan3A = arith.constant 0 : i32
      %scan3A_8 = arith.constant 0 : i32
      %scan3A_9 = arith.constant 10 : i32
      %scan3A_10 = arith.addi %scan3A_8, %scan3A_9 : i32
      %scan3A_11 = arith.constant 1 : i32
      scf.for %scan3A_37 = %scan3A_8 to %scan3A_10 step %scan3A_11  : i32 {
        %mul3A_38 = arith.constant 25000 : i32
        %mul3A_39 = arith.muli %scan3A_37, %mul3A_38 : i32
        "tpu.region"() ({
          %run_scoped3A_40 = tpu.sem_alloc : memref<!tpu.dma_semaphore, #tpu.memory_space<semaphore_mem>>
          %dma_start3A_41 = tpu.memref_slice %arg18[%mul3A_39] : memref<250000xi32, #tpu.memory_space<vmem_shared>> -> memref<25000xi32, #tpu.memory_space<vmem_shared>>
          %dma_start3A_42 = tpu.memref_slice %arg18[%mul3A_39] : memref<250000xi32, #tpu.memory_space<vmem_shared>> -> memref<25000xi32, #tpu.memory_space<vmem_shared>>
          tpu.enqueue_dma source(%arg14 : memref<25000xi32, #tpu.memory_space<vmem>>) target(%dma_start3A_42 : memref<25000xi32, #tpu.memory_space<vmem_shared>>) target_semaphore(%run_scoped3A_40 : memref<!tpu.dma_semaphore, #tpu.memory_space<semaphore_mem>>)
          %dma_wait3A = tpu.memref_slice %arg18[%mul3A_39] : memref<250000xi32, #tpu.memory_space<vmem_shared>> -> memref<25000xi32, #tpu.memory_space<vmem_shared>>
          %dma_wait3A_43 = tpu.memref_slice %arg18[%mul3A_39] : memref<250000xi32, #tpu.memory_space<vmem_shared>> -> memref<25000xi32, #tpu.memory_space<vmem_shared>>
          tpu.wait_dma2 semaphore(%run_scoped3A_40 : memref<!tpu.dma_semaphore, #tpu.memory_space<semaphore_mem>>) src(%arg14 : memref<25000xi32, #tpu.memory_space<vmem>>) dst(%dma_wait3A_43 : memref<25000xi32, #tpu.memory_space<vmem_shared>>)
          tpu.yield
        }) : () -> ()
      }
      %scan3A_12 = arith.constant 10 : i32
      "tpu.region"() ({
        %run_scoped3A_37 = tpu.sem_alloc : memref<!tpu.dma_semaphore, #tpu.memory_space<semaphore_mem>>
        tpu.enqueue_dma source(%arg5 : memref<120xi32, #tpu.memory_space<hbm>>) target(%arg13 : memref<120xi32, #tpu.memory_space<vmem>>) target_semaphore(%run_scoped3A_37 : memref<!tpu.dma_semaphore, #tpu.memory_space<semaphore_mem>>)
        tpu.wait_dma2 semaphore(%run_scoped3A_37 : memref<!tpu.dma_semaphore, #tpu.memory_space<semaphore_mem>>) src(%arg5 : memref<120xi32, #tpu.memory_space<hbm>>) dst(%arg13 : memref<120xi32, #tpu.memory_space<vmem>>)
        tpu.yield
      }) : () -> ()
      %run_scoped3A = arith.constant 0 : i32
      "tpu.region"() ({
        %run_scoped3A_37 = tpu.sem_alloc : memref<!tpu.dma_semaphore, #tpu.memory_space<semaphore_mem>>
        %dma_start3A_38 = arith.constant 0 : i32
        %dma_start3A_39 = arith.constant 0 : i32
        %dma_start3A_40 = tpu.memref_slice %arg3[%run_scoped3A, %dma_start3A_38, %dma_start3A_39] : memref<2x100x120xi32, #tpu.memory_space<hbm>> -> memref<1x100x120xi32, #tpu.memory_space<hbm>>
        %dma_start3A_41 = tpu.memref_squeeze %dma_start3A_40 : memref<1x100x120xi32, #tpu.memory_space<hbm>> -> memref<100x120xi32, #tpu.memory_space<hbm>>
        %dma_start3A_42 = arith.constant 0 : i32
        %dma_start3A_43 = arith.constant 0 : i32
        %dma_start3A_44 = tpu.memref_slice %arg3[%run_scoped3A, %dma_start3A_42, %dma_start3A_43] : memref<2x100x120xi32, #tpu.memory_space<hbm>> -> memref<1x100x120xi32, #tpu.memory_space<hbm>>
        %dma_start3A_45 = tpu.memref_squeeze %dma_start3A_44 : memref<1x100x120xi32, #tpu.memory_space<hbm>> -> memref<100x120xi32, #tpu.memory_space<hbm>>
        tpu.enqueue_dma source(%dma_start3A_45 : memref<100x120xi32, #tpu.memory_space<hbm>>) target(%arg9 : memref<100x120xi32, #tpu.memory_space<vmem>>) target_semaphore(%run_scoped3A_37 : memref<!tpu.dma_semaphore, #tpu.memory_space<semaphore_mem>>)
        %dma_wait3A = arith.constant 0 : i32
        %dma_wait3A_46 = arith.constant 0 : i32
        %dma_wait3A_47 = tpu.memref_slice %arg3[%run_scoped3A, %dma_wait3A, %dma_wait3A_46] : memref<2x100x120xi32, #tpu.memory_space<hbm>> -> memref<1x100x120xi32, #tpu.memory_space<hbm>>
        %dma_wait3A_48 = tpu.memref_squeeze %dma_wait3A_47 : memref<1x100x120xi32, #tpu.memory_space<hbm>> -> memref<100x120xi32, #tpu.memory_space<hbm>>
        %dma_wait3A_49 = arith.constant 0 : i32
        %dma_wait3A_50 = arith.constant 0 : i32
        %dma_wait3A_51 = tpu.memref_slice %arg3[%run_scoped3A, %dma_wait3A_49, %dma_wait3A_50] : memref<2x100x120xi32, #tpu.memory_space<hbm>> -> memref<1x100x120xi32, #tpu.memory_space<hbm>>
        %dma_wait3A_52 = tpu.memref_squeeze %dma_wait3A_51 : memref<1x100x120xi32, #tpu.memory_space<hbm>> -> memref<100x120xi32, #tpu.memory_space<hbm>>
        tpu.wait_dma2 semaphore(%run_scoped3A_37 : memref<!tpu.dma_semaphore, #tpu.memory_space<semaphore_mem>>) src(%dma_wait3A_52 : memref<100x120xi32, #tpu.memory_space<hbm>>) dst(%arg9 : memref<100x120xi32, #tpu.memory_space<vmem>>)
        tpu.yield
      }) : () -> ()
      %run_scoped3A_13 = arith.constant 0 : i32
      "tpu.region"() ({
        %run_scoped3A_37 = tpu.sem_alloc : memref<!tpu.dma_semaphore, #tpu.memory_space<semaphore_mem>>
        %dma_start3A_38 = arith.constant 0 : i32
        %dma_start3A_39 = arith.constant 0 : i32
        %dma_start3A_40 = tpu.memref_slice %arg4[%run_scoped3A_13, %dma_start3A_38, %dma_start3A_39] : memref<2x100x120xi32, #tpu.memory_space<hbm>> -> memref<1x100x120xi32, #tpu.memory_space<hbm>>
        %dma_start3A_41 = tpu.memref_squeeze %dma_start3A_40 : memref<1x100x120xi32, #tpu.memory_space<hbm>> -> memref<100x120xi32, #tpu.memory_space<hbm>>
        %dma_start3A_42 = arith.constant 0 : i32
        %dma_start3A_43 = arith.constant 0 : i32
        %dma_start3A_44 = tpu.memref_slice %arg4[%run_scoped3A_13, %dma_start3A_42, %dma_start3A_43] : memref<2x100x120xi32, #tpu.memory_space<hbm>> -> memref<1x100x120xi32, #tpu.memory_space<hbm>>
        %dma_start3A_45 = tpu.memref_squeeze %dma_start3A_44 : memref<1x100x120xi32, #tpu.memory_space<hbm>> -> memref<100x120xi32, #tpu.memory_space<hbm>>
        tpu.enqueue_dma source(%dma_start3A_45 : memref<100x120xi32, #tpu.memory_space<hbm>>) target(%arg10 : memref<100x120xi32, #tpu.memory_space<vmem>>) target_semaphore(%run_scoped3A_37 : memref<!tpu.dma_semaphore, #tpu.memory_space<semaphore_mem>>)
        %dma_wait3A = arith.constant 0 : i32
        %dma_wait3A_46 = arith.constant 0 : i32
        %dma_wait3A_47 = tpu.memref_slice %arg4[%run_scoped3A_13, %dma_wait3A, %dma_wait3A_46] : memref<2x100x120xi32, #tpu.memory_space<hbm>> -> memref<1x100x120xi32, #tpu.memory_space<hbm>>
        %dma_wait3A_48 = tpu.memref_squeeze %dma_wait3A_47 : memref<1x100x120xi32, #tpu.memory_space<hbm>> -> memref<100x120xi32, #tpu.memory_space<hbm>>
        %dma_wait3A_49 = arith.constant 0 : i32
        %dma_wait3A_50 = arith.constant 0 : i32
        %dma_wait3A_51 = tpu.memref_slice %arg4[%run_scoped3A_13, %dma_wait3A_49, %dma_wait3A_50] : memref<2x100x120xi32, #tpu.memory_space<hbm>> -> memref<1x100x120xi32, #tpu.memory_space<hbm>>
        %dma_wait3A_52 = tpu.memref_squeeze %dma_wait3A_51 : memref<1x100x120xi32, #tpu.memory_space<hbm>> -> memref<100x120xi32, #tpu.memory_space<hbm>>
        tpu.wait_dma2 semaphore(%run_scoped3A_37 : memref<!tpu.dma_semaphore, #tpu.memory_space<semaphore_mem>>) src(%dma_wait3A_52 : memref<100x120xi32, #tpu.memory_space<hbm>>) dst(%arg10 : memref<100x120xi32, #tpu.memory_space<vmem>>)
        tpu.yield
      }) : () -> ()
      %dma_start3A = arith.constant 0 : i32
      %dma_start3A_14 = arith.constant 0 : i32
      %dma_start3A_15 = tpu.memref_slice %arg2[%dma_start3A, %dma_start3A_14] : memref<24000x128xf32, #tpu.memory_space<hbm>> -> memref<120x128xf32, #tpu.memory_space<hbm>>
      %dma_start3A_16 = arith.constant 0 : i32
      %dma_start3A_17 = arith.constant 0 : i32
      %dma_start3A_18 = tpu.memref_slice %arg2[%dma_start3A_16, %dma_start3A_17] : memref<24000x128xf32, #tpu.memory_space<hbm>> -> memref<120x128xf32, #tpu.memory_space<hbm>>
      tpu.enqueue_dma source(%dma_start3A_18 : memref<120x128xf32, #tpu.memory_space<hbm>>) target(%arg11 : memref<120x128xf32, #tpu.memory_space<vmem>>) target_semaphore(%arg15 : memref<!tpu.dma_semaphore, #tpu.memory_space<semaphore_mem>>)
      %scan3A_19 = arith.constant 0 : i32
      %scan3A_20 = arith.constant 0 : i32
      %scan3A_21 = arith.constant 50 : i32
      %scan3A_22 = arith.addi %scan3A_20, %scan3A_21 : i32
      %scan3A_23 = arith.constant 1 : i32
      scf.for %scan3A_37 = %scan3A_20 to %scan3A_22 step %scan3A_23  : i32 {
        %mul3A_38 = arith.constant 2 : i32
        %mul3A_39 = arith.muli %mul3A_38, %scan3A_37 : i32
        %mul3A_40 = arith.constant 2 : i32
        %mul3A_41 = arith.muli %mul3A_40, %scan3A_37 : i32
        %add3A_42 = arith.constant 1 : i32
        %add3A_43 = arith.addi %mul3A_41, %add3A_42 : i32
        %mul3A_44 = arith.constant 120 : i32
        %mul3A_45 = arith.muli %mul3A_39, %mul3A_44 : i32
        %add3A_46 = arith.constant 0 : i32
        %add3A_47 = arith.addi %add3A_46, %mul3A_45 : i32
        %dma_wait3A = arith.constant 0 : i32
        %dma_wait3A_48 = tpu.memref_slice %arg2[%add3A_47, %dma_wait3A] : memref<24000x128xf32, #tpu.memory_space<hbm>> -> memref<120x128xf32, #tpu.memory_space<hbm>>
        %dma_wait3A_49 = arith.constant 0 : i32
        %dma_wait3A_50 = tpu.memref_slice %arg2[%add3A_47, %dma_wait3A_49] : memref<24000x128xf32, #tpu.memory_space<hbm>> -> memref<120x128xf32, #tpu.memory_space<hbm>>
        tpu.wait_dma2 semaphore(%arg15 : memref<!tpu.dma_semaphore, #tpu.memory_space<semaphore_mem>>) src(%dma_wait3A_50 : memref<120x128xf32, #tpu.memory_space<hbm>>) dst(%arg11 : memref<120x128xf32, #tpu.memory_space<vmem>>)
        %mul3A_51 = arith.constant 120 : i32
        %mul3A_52 = arith.muli %add3A_43, %mul3A_51 : i32
        %add3A_53 = arith.constant 0 : i32
        %add3A_54 = arith.addi %add3A_53, %mul3A_52 : i32
        %dma_start3A_55 = arith.constant 0 : i32
        %dma_start3A_56 = tpu.memref_slice %arg2[%add3A_54, %dma_start3A_55] : memref<24000x128xf32, #tpu.memory_space<hbm>> -> memref<120x128xf32, #tpu.memory_space<hbm>>
        %dma_start3A_57 = arith.constant 0 : i32
        %dma_start3A_58 = tpu.memref_slice %arg2[%add3A_54, %dma_start3A_57] : memref<24000x128xf32, #tpu.memory_space<hbm>> -> memref<120x128xf32, #tpu.memory_space<hbm>>
        tpu.enqueue_dma source(%dma_start3A_58 : memref<120x128xf32, #tpu.memory_space<hbm>>) target(%arg12 : memref<120x128xf32, #tpu.memory_space<vmem>>) target_semaphore(%arg16 : memref<!tpu.dma_semaphore, #tpu.memory_space<semaphore_mem>>)
        "tpu.region"() ({
          %run_scoped3A_81 = tpu.sem_alloc : memref<!tpu.dma_semaphore, #tpu.memory_space<semaphore_mem>>
          %dma_start3A_82 = arith.constant 0 : i32
          %dma_start3A_83 = tpu.memref_slice %arg9[%mul3A_39, %dma_start3A_82] : memref<100x120xi32, #tpu.memory_space<vmem>> -> memref<1x120xi32, #tpu.memory_space<vmem>>
          %dma_start3A_84 = tpu.memref_squeeze %dma_start3A_83 : memref<1x120xi32, #tpu.memory_space<vmem>> -> memref<120xi32, #tpu.memory_space<vmem>>
          %dma_start3A_85 = arith.constant 0 : i32
          %dma_start3A_86 = arith.constant 0 : i32
          %dma_start3A_87 = tpu.memref_slice %arg7[%dma_start3A_85, %dma_start3A_86] : memref<500000x128xf32, #tpu.memory_space<hbm>> -> memref<500000x128xf32, #tpu.memory_space<hbm>>
          tpu.enqueue_indirect_dma source(%arg11 : memref<120x128xf32, #tpu.memory_space<vmem>>) target(%dma_start3A_87 : memref<500000x128xf32, #tpu.memory_space<hbm>>) offsets(%dma_start3A_84 : memref<120xi32, #tpu.memory_space<vmem>>) semaphore(%run_scoped3A_81 : memref<!tpu.dma_semaphore, #tpu.memory_space<semaphore_mem>>)
          %dma_wait3A_88 = arith.constant 0 : i32
          %dma_wait3A_89 = tpu.memref_slice %arg9[%mul3A_39, %dma_wait3A_88] : memref<100x120xi32, #tpu.memory_space<vmem>> -> memref<1x120xi32, #tpu.memory_space<vmem>>
          %dma_wait3A_90 = tpu.memref_squeeze %dma_wait3A_89 : memref<1x120xi32, #tpu.memory_space<vmem>> -> memref<120xi32, #tpu.memory_space<vmem>>
          %dma_wait3A_91 = arith.constant 0 : i32
          %dma_wait3A_92 = arith.constant 0 : i32
          %dma_wait3A_93 = tpu.memref_slice %arg7[%dma_wait3A_91, %dma_wait3A_92] : memref<500000x128xf32, #tpu.memory_space<hbm>> -> memref<500000x128xf32, #tpu.memory_space<hbm>>
          tpu.wait_indirect_dma semaphore(%run_scoped3A_81 : memref<!tpu.dma_semaphore, #tpu.memory_space<semaphore_mem>>) src(%arg11 : memref<120x128xf32, #tpu.memory_space<vmem>>) dst(%dma_wait3A_93 : memref<500000x128xf32, #tpu.memory_space<hbm>>)
          tpu.yield
        }) : () -> ()
        %dma_start3A_59 = arith.constant 0 : i32
        %dma_start3A_60 = tpu.memref_slice %arg10[%mul3A_39, %dma_start3A_59] : memref<100x120xi32, #tpu.memory_space<vmem>> -> memref<1x120xi32, #tpu.memory_space<vmem>>
        %dma_start3A_61 = tpu.memref_squeeze %dma_start3A_60 : memref<1x120xi32, #tpu.memory_space<vmem>> -> memref<120xi32, #tpu.memory_space<vmem>>
        %dma_start3A_62 = arith.constant 0 : i32
        %dma_start3A_63 = tpu.memref_slice %arg18[%dma_start3A_62] : memref<250000xi32, #tpu.memory_space<vmem_shared>> -> memref<250000xi32, #tpu.memory_space<vmem_shared>>
        tpu.enqueue_indirect_dma source(%arg13 : memref<120xi32, #tpu.memory_space<vmem>>) target(%dma_start3A_63 : memref<250000xi32, #tpu.memory_space<vmem_shared>>) offsets(%dma_start3A_61 : memref<120xi32, #tpu.memory_space<vmem>>) semaphore(%arg17 : memref<!tpu.dma_semaphore, #tpu.memory_space<semaphore_mem>>) {add = true}
        %mul3A_64 = arith.constant 120 : i32
        %mul3A_65 = arith.muli %add3A_43, %mul3A_64 : i32
        %add3A_66 = arith.constant 0 : i32
        %add3A_67 = arith.addi %add3A_66, %mul3A_65 : i32
        %dma_wait3A_68 = arith.constant 0 : i32
        %dma_wait3A_69 = tpu.memref_slice %arg2[%add3A_67, %dma_wait3A_68] : memref<24000x128xf32, #tpu.memory_space<hbm>> -> memref<120x128xf32, #tpu.memory_space<hbm>>
        %dma_wait3A_70 = arith.constant 0 : i32
        %dma_wait3A_71 = tpu.memref_slice %arg2[%add3A_67, %dma_wait3A_70] : memref<24000x128xf32, #tpu.memory_space<hbm>> -> memref<120x128xf32, #tpu.memory_space<hbm>>
        tpu.wait_dma2 semaphore(%arg16 : memref<!tpu.dma_semaphore, #tpu.memory_space<semaphore_mem>>) src(%dma_wait3A_71 : memref<120x128xf32, #tpu.memory_space<hbm>>) dst(%arg12 : memref<120x128xf32, #tpu.memory_space<vmem>>)
        %lt3A = arith.constant 49 : i32
        %lt3A_72 = arith.cmpi slt, %scan3A_37, %lt3A : i32
        %convert_element_type3A_73 = arith.extui %lt3A_72 : i1 to i32
        %cond3A_74 = arith.constant 0 : i32
        %cond3A_75 = arith.cmpi ne, %convert_element_type3A_73, %cond3A_74 : i32
        scf.if %cond3A_75 {
          %add3A_81 = arith.constant 1 : i32
          %add3A_82 = arith.addi %add3A_43, %add3A_81 : i32
          %mul3A_83 = arith.constant 120 : i32
          %mul3A_84 = arith.muli %add3A_82, %mul3A_83 : i32
          %add3A_85 = arith.constant 0 : i32
          %add3A_86 = arith.addi %add3A_85, %mul3A_84 : i32
          %dma_start3A_87 = arith.constant 0 : i32
          %dma_start3A_88 = tpu.memref_slice %arg2[%add3A_86, %dma_start3A_87] : memref<24000x128xf32, #tpu.memory_space<hbm>> -> memref<120x128xf32, #tpu.memory_space<hbm>>
          %dma_start3A_89 = arith.constant 0 : i32
          %dma_start3A_90 = tpu.memref_slice %arg2[%add3A_86, %dma_start3A_89] : memref<24000x128xf32, #tpu.memory_space<hbm>> -> memref<120x128xf32, #tpu.memory_space<hbm>>
          tpu.enqueue_dma source(%dma_start3A_90 : memref<120x128xf32, #tpu.memory_space<hbm>>) target(%arg11 : memref<120x128xf32, #tpu.memory_space<vmem>>) target_semaphore(%arg15 : memref<!tpu.dma_semaphore, #tpu.memory_space<semaphore_mem>>)
        } else {
        }
        "tpu.region"() ({
          %run_scoped3A_81 = tpu.sem_alloc : memref<!tpu.dma_semaphore, #tpu.memory_space<semaphore_mem>>
          %dma_start3A_82 = arith.constant 0 : i32
          %dma_start3A_83 = tpu.memref_slice %arg9[%add3A_43, %dma_start3A_82] : memref<100x120xi32, #tpu.memory_space<vmem>> -> memref<1x120xi32, #tpu.memory_space<vmem>>
          %dma_start3A_84 = tpu.memref_squeeze %dma_start3A_83 : memref<1x120xi32, #tpu.memory_space<vmem>> -> memref<120xi32, #tpu.memory_space<vmem>>
          %dma_start3A_85 = arith.constant 0 : i32
          %dma_start3A_86 = arith.constant 0 : i32
          %dma_start3A_87 = tpu.memref_slice %arg7[%dma_start3A_85, %dma_start3A_86] : memref<500000x128xf32, #tpu.memory_space<hbm>> -> memref<500000x128xf32, #tpu.memory_space<hbm>>
          tpu.enqueue_indirect_dma source(%arg12 : memref<120x128xf32, #tpu.memory_space<vmem>>) target(%dma_start3A_87 : memref<500000x128xf32, #tpu.memory_space<hbm>>) offsets(%dma_start3A_84 : memref<120xi32, #tpu.memory_space<vmem>>) semaphore(%run_scoped3A_81 : memref<!tpu.dma_semaphore, #tpu.memory_space<semaphore_mem>>)
          %dma_wait3A_88 = arith.constant 0 : i32
          %dma_wait3A_89 = tpu.memref_slice %arg9[%add3A_43, %dma_wait3A_88] : memref<100x120xi32, #tpu.memory_space<vmem>> -> memref<1x120xi32, #tpu.memory_space<vmem>>
          %dma_wait3A_90 = tpu.memref_squeeze %dma_wait3A_89 : memref<1x120xi32, #tpu.memory_space<vmem>> -> memref<120xi32, #tpu.memory_space<vmem>>
          %dma_wait3A_91 = arith.constant 0 : i32
          %dma_wait3A_92 = arith.constant 0 : i32
          %dma_wait3A_93 = tpu.memref_slice %arg7[%dma_wait3A_91, %dma_wait3A_92] : memref<500000x128xf32, #tpu.memory_space<hbm>> -> memref<500000x128xf32, #tpu.memory_space<hbm>>
          tpu.wait_indirect_dma semaphore(%run_scoped3A_81 : memref<!tpu.dma_semaphore, #tpu.memory_space<semaphore_mem>>) src(%arg12 : memref<120x128xf32, #tpu.memory_space<vmem>>) dst(%dma_wait3A_93 : memref<500000x128xf32, #tpu.memory_space<hbm>>)
          tpu.yield
        }) : () -> ()
        %dma_start3A_76 = arith.constant 0 : i32
        %dma_start3A_77 = tpu.memref_slice %arg10[%add3A_43, %dma_start3A_76] : memref<100x120xi32, #tpu.memory_space<vmem>> -> memref<1x120xi32, #tpu.memory_space<vmem>>
        %dma_start3A_78 = tpu.memref_squeeze %dma_start3A_77 : memref<1x120xi32, #tpu.memory_space<vmem>> -> memref<120xi32, #tpu.memory_space<vmem>>
        %dma_start3A_79 = arith.constant 0 : i32
        %dma_start3A_80 = tpu.memref_slice %arg18[%dma_start3A_79] : memref<250000xi32, #tpu.memory_space<vmem_shared>> -> memref<250000xi32, #tpu.memory_space<vmem_shared>>
        tpu.enqueue_indirect_dma source(%arg13 : memref<120xi32, #tpu.memory_space<vmem>>) target(%dma_start3A_80 : memref<250000xi32, #tpu.memory_space<vmem_shared>>) offsets(%dma_start3A_78 : memref<120xi32, #tpu.memory_space<vmem>>) semaphore(%arg17 : memref<!tpu.dma_semaphore, #tpu.memory_space<semaphore_mem>>) {add = true}
      }
      %scan3A_24 = arith.constant 50 : i32
      %scan3A_25 = arith.constant 0 : i32
      %scan3A_26 = arith.constant 0 : i32
      %scan3A_27 = arith.constant 100 : i32
      %scan3A_28 = arith.addi %scan3A_26, %scan3A_27 : i32
      %scan3A_29 = arith.constant 1 : i32
      scf.for %scan3A_37 = %scan3A_26 to %scan3A_28 step %scan3A_29  : i32 {
        %dma_wait3A = arith.constant 0 : i32
        %dma_wait3A_38 = tpu.memref_slice %arg10[%scan3A_37, %dma_wait3A] : memref<100x120xi32, #tpu.memory_space<vmem>> -> memref<1x120xi32, #tpu.memory_space<vmem>>
        %dma_wait3A_39 = tpu.memref_squeeze %dma_wait3A_38 : memref<1x120xi32, #tpu.memory_space<vmem>> -> memref<120xi32, #tpu.memory_space<vmem>>
        %dma_wait3A_40 = arith.constant 0 : i32
        %dma_wait3A_41 = tpu.memref_slice %arg18[%dma_wait3A_40] : memref<250000xi32, #tpu.memory_space<vmem_shared>> -> memref<250000xi32, #tpu.memory_space<vmem_shared>>
        tpu.wait_indirect_dma semaphore(%arg17 : memref<!tpu.dma_semaphore, #tpu.memory_space<semaphore_mem>>) src(%arg13 : memref<120xi32, #tpu.memory_space<vmem>>) dst(%dma_wait3A_41 : memref<250000xi32, #tpu.memory_space<vmem_shared>>)
      }
      %scan3A_30 = arith.constant 100 : i32
      %scan3A_31 = arith.constant 0 : i32
      %scan3A_32 = arith.constant 0 : i32
      %scan3A_33 = arith.constant 10 : i32
      %scan3A_34 = arith.addi %scan3A_32, %scan3A_33 : i32
      %scan3A_35 = arith.constant 1 : i32
      scf.for %scan3A_37 = %scan3A_32 to %scan3A_34 step %scan3A_35  : i32 {
        %mul3A_38 = arith.constant 25000 : i32
        %mul3A_39 = arith.muli %scan3A_37, %mul3A_38 : i32
        "tpu.region"() ({
          %run_scoped3A_44 = tpu.sem_alloc : memref<!tpu.dma_semaphore, #tpu.memory_space<semaphore_mem>>
          %dma_start3A_45 = tpu.memref_slice %arg18[%mul3A_39] : memref<250000xi32, #tpu.memory_space<vmem_shared>> -> memref<25000xi32, #tpu.memory_space<vmem_shared>>
          %dma_start3A_46 = tpu.memref_slice %arg18[%mul3A_39] : memref<250000xi32, #tpu.memory_space<vmem_shared>> -> memref<25000xi32, #tpu.memory_space<vmem_shared>>
          tpu.enqueue_dma source(%dma_start3A_46 : memref<25000xi32, #tpu.memory_space<vmem_shared>>) target(%arg14 : memref<25000xi32, #tpu.memory_space<vmem>>) target_semaphore(%run_scoped3A_44 : memref<!tpu.dma_semaphore, #tpu.memory_space<semaphore_mem>>)
          %dma_wait3A = tpu.memref_slice %arg18[%mul3A_39] : memref<250000xi32, #tpu.memory_space<vmem_shared>> -> memref<25000xi32, #tpu.memory_space<vmem_shared>>
          %dma_wait3A_47 = tpu.memref_slice %arg18[%mul3A_39] : memref<250000xi32, #tpu.memory_space<vmem_shared>> -> memref<25000xi32, #tpu.memory_space<vmem_shared>>
          tpu.wait_dma2 semaphore(%run_scoped3A_44 : memref<!tpu.dma_semaphore, #tpu.memory_space<semaphore_mem>>) src(%dma_wait3A_47 : memref<25000xi32, #tpu.memory_space<vmem_shared>>) dst(%arg14 : memref<25000xi32, #tpu.memory_space<vmem>>)
          tpu.yield
        }) : () -> ()
        %mul3A_40 = arith.constant 25000 : i32
        %mul3A_41 = arith.muli %scan3A_37, %mul3A_40 : i32
        %add3A_42 = arith.constant 0 : i32
        %add3A_43 = arith.addi %add3A_42, %mul3A_41 : i32
        "tpu.region"() ({
          %run_scoped3A_44 = tpu.sem_alloc : memref<!tpu.dma_semaphore, #tpu.memory_space<semaphore_mem>>
          %dma_start3A_45 = tpu.memref_slice %arg8[%add3A_43] : memref<500000xi32, #tpu.memory_space<hbm>> -> memref<25000xi32, #tpu.memory_space<hbm>>
          %dma_start3A_46 = tpu.memref_slice %arg8[%add3A_43] : memref<500000xi32, #tpu.memory_space<hbm>> -> memref<25000xi32, #tpu.memory_space<hbm>>
          tpu.enqueue_dma source(%arg14 : memref<25000xi32, #tpu.memory_space<vmem>>) target(%dma_start3A_46 : memref<25000xi32, #tpu.memory_space<hbm>>) target_semaphore(%run_scoped3A_44 : memref<!tpu.dma_semaphore, #tpu.memory_space<semaphore_mem>>)
          %dma_wait3A = tpu.memref_slice %arg8[%add3A_43] : memref<500000xi32, #tpu.memory_space<hbm>> -> memref<25000xi32, #tpu.memory_space<hbm>>
          %dma_wait3A_47 = tpu.memref_slice %arg8[%add3A_43] : memref<500000xi32, #tpu.memory_space<hbm>> -> memref<25000xi32, #tpu.memory_space<hbm>>
          tpu.wait_dma2 semaphore(%run_scoped3A_44 : memref<!tpu.dma_semaphore, #tpu.memory_space<semaphore_mem>>) src(%arg14 : memref<25000xi32, #tpu.memory_space<vmem>>) dst(%dma_wait3A_47 : memref<25000xi32, #tpu.memory_space<hbm>>)
          tpu.yield
        }) : () -> ()
      }
      %scan3A_36 = arith.constant 10 : i32
    } else {
    }
    %eq3A_3 = arith.constant 1 : i32
    %eq3A_4 = arith.cmpi eq, %add3A, %eq3A_3 : i32
    %convert_element_type3A_5 = arith.extui %eq3A_4 : i1 to i32
    %cond3A_6 = arith.constant 0 : i32
    %cond3A_7 = arith.cmpi ne, %convert_element_type3A_5, %cond3A_6 : i32
    scf.if %cond3A_7 {
      "tpu.region"() ({
        %run_scoped3A_37 = tpu.sem_alloc : memref<!tpu.dma_semaphore, #tpu.memory_space<semaphore_mem>>
        tpu.enqueue_dma source(%arg6 : memref<25000xi32, #tpu.memory_space<hbm>>) target(%arg14 : memref<25000xi32, #tpu.memory_space<vmem>>) target_semaphore(%run_scoped3A_37 : memref<!tpu.dma_semaphore, #tpu.memory_space<semaphore_mem>>)
        tpu.wait_dma2 semaphore(%run_scoped3A_37 : memref<!tpu.dma_semaphore, #tpu.memory_space<semaphore_mem>>) src(%arg6 : memref<25000xi32, #tpu.memory_space<hbm>>) dst(%arg14 : memref<25000xi32, #tpu.memory_space<vmem>>)
        tpu.yield
      }) : () -> ()
      %scan3A = arith.constant 0 : i32
      %scan3A_8 = arith.constant 0 : i32
      %scan3A_9 = arith.constant 10 : i32
      %scan3A_10 = arith.addi %scan3A_8, %scan3A_9 : i32
      %scan3A_11 = arith.constant 1 : i32
      scf.for %scan3A_37 = %scan3A_8 to %scan3A_10 step %scan3A_11  : i32 {
        %mul3A_38 = arith.constant 25000 : i32
        %mul3A_39 = arith.muli %scan3A_37, %mul3A_38 : i32
        "tpu.region"() ({
          %run_scoped3A_40 = tpu.sem_alloc : memref<!tpu.dma_semaphore, #tpu.memory_space<semaphore_mem>>
          %dma_start3A_41 = tpu.memref_slice %arg18[%mul3A_39] : memref<250000xi32, #tpu.memory_space<vmem_shared>> -> memref<25000xi32, #tpu.memory_space<vmem_shared>>
          %dma_start3A_42 = tpu.memref_slice %arg18[%mul3A_39] : memref<250000xi32, #tpu.memory_space<vmem_shared>> -> memref<25000xi32, #tpu.memory_space<vmem_shared>>
          tpu.enqueue_dma source(%arg14 : memref<25000xi32, #tpu.memory_space<vmem>>) target(%dma_start3A_42 : memref<25000xi32, #tpu.memory_space<vmem_shared>>) target_semaphore(%run_scoped3A_40 : memref<!tpu.dma_semaphore, #tpu.memory_space<semaphore_mem>>)
          %dma_wait3A = tpu.memref_slice %arg18[%mul3A_39] : memref<250000xi32, #tpu.memory_space<vmem_shared>> -> memref<25000xi32, #tpu.memory_space<vmem_shared>>
          %dma_wait3A_43 = tpu.memref_slice %arg18[%mul3A_39] : memref<250000xi32, #tpu.memory_space<vmem_shared>> -> memref<25000xi32, #tpu.memory_space<vmem_shared>>
          tpu.wait_dma2 semaphore(%run_scoped3A_40 : memref<!tpu.dma_semaphore, #tpu.memory_space<semaphore_mem>>) src(%arg14 : memref<25000xi32, #tpu.memory_space<vmem>>) dst(%dma_wait3A_43 : memref<25000xi32, #tpu.memory_space<vmem_shared>>)
          tpu.yield
        }) : () -> ()
      }
      %scan3A_12 = arith.constant 10 : i32
      "tpu.region"() ({
        %run_scoped3A_37 = tpu.sem_alloc : memref<!tpu.dma_semaphore, #tpu.memory_space<semaphore_mem>>
        tpu.enqueue_dma source(%arg5 : memref<120xi32, #tpu.memory_space<hbm>>) target(%arg13 : memref<120xi32, #tpu.memory_space<vmem>>) target_semaphore(%run_scoped3A_37 : memref<!tpu.dma_semaphore, #tpu.memory_space<semaphore_mem>>)
        tpu.wait_dma2 semaphore(%run_scoped3A_37 : memref<!tpu.dma_semaphore, #tpu.memory_space<semaphore_mem>>) src(%arg5 : memref<120xi32, #tpu.memory_space<hbm>>) dst(%arg13 : memref<120xi32, #tpu.memory_space<vmem>>)
        tpu.yield
      }) : () -> ()
      %run_scoped3A = arith.constant 1 : i32
      "tpu.region"() ({
        %run_scoped3A_37 = tpu.sem_alloc : memref<!tpu.dma_semaphore, #tpu.memory_space<semaphore_mem>>
        %dma_start3A_38 = arith.constant 0 : i32
        %dma_start3A_39 = arith.constant 0 : i32
        %dma_start3A_40 = tpu.memref_slice %arg3[%run_scoped3A, %dma_start3A_38, %dma_start3A_39] : memref<2x100x120xi32, #tpu.memory_space<hbm>> -> memref<1x100x120xi32, #tpu.memory_space<hbm>>
        %dma_start3A_41 = tpu.memref_squeeze %dma_start3A_40 : memref<1x100x120xi32, #tpu.memory_space<hbm>> -> memref<100x120xi32, #tpu.memory_space<hbm>>
        %dma_start3A_42 = arith.constant 0 : i32
        %dma_start3A_43 = arith.constant 0 : i32
        %dma_start3A_44 = tpu.memref_slice %arg3[%run_scoped3A, %dma_start3A_42, %dma_start3A_43] : memref<2x100x120xi32, #tpu.memory_space<hbm>> -> memref<1x100x120xi32, #tpu.memory_space<hbm>>
        %dma_start3A_45 = tpu.memref_squeeze %dma_start3A_44 : memref<1x100x120xi32, #tpu.memory_space<hbm>> -> memref<100x120xi32, #tpu.memory_space<hbm>>
        tpu.enqueue_dma source(%dma_start3A_45 : memref<100x120xi32, #tpu.memory_space<hbm>>) target(%arg9 : memref<100x120xi32, #tpu.memory_space<vmem>>) target_semaphore(%run_scoped3A_37 : memref<!tpu.dma_semaphore, #tpu.memory_space<semaphore_mem>>)
        %dma_wait3A = arith.constant 0 : i32
        %dma_wait3A_46 = arith.constant 0 : i32
        %dma_wait3A_47 = tpu.memref_slice %arg3[%run_scoped3A, %dma_wait3A, %dma_wait3A_46] : memref<2x100x120xi32, #tpu.memory_space<hbm>> -> memref<1x100x120xi32, #tpu.memory_space<hbm>>
        %dma_wait3A_48 = tpu.memref_squeeze %dma_wait3A_47 : memref<1x100x120xi32, #tpu.memory_space<hbm>> -> memref<100x120xi32, #tpu.memory_space<hbm>>
        %dma_wait3A_49 = arith.constant 0 : i32
        %dma_wait3A_50 = arith.constant 0 : i32
        %dma_wait3A_51 = tpu.memref_slice %arg3[%run_scoped3A, %dma_wait3A_49, %dma_wait3A_50] : memref<2x100x120xi32, #tpu.memory_space<hbm>> -> memref<1x100x120xi32, #tpu.memory_space<hbm>>
        %dma_wait3A_52 = tpu.memref_squeeze %dma_wait3A_51 : memref<1x100x120xi32, #tpu.memory_space<hbm>> -> memref<100x120xi32, #tpu.memory_space<hbm>>
        tpu.wait_dma2 semaphore(%run_scoped3A_37 : memref<!tpu.dma_semaphore, #tpu.memory_space<semaphore_mem>>) src(%dma_wait3A_52 : memref<100x120xi32, #tpu.memory_space<hbm>>) dst(%arg9 : memref<100x120xi32, #tpu.memory_space<vmem>>)
        tpu.yield
      }) : () -> ()
      %run_scoped3A_13 = arith.constant 1 : i32
      "tpu.region"() ({
        %run_scoped3A_37 = tpu.sem_alloc : memref<!tpu.dma_semaphore, #tpu.memory_space<semaphore_mem>>
        %dma_start3A_38 = arith.constant 0 : i32
        %dma_start3A_39 = arith.constant 0 : i32
        %dma_start3A_40 = tpu.memref_slice %arg4[%run_scoped3A_13, %dma_start3A_38, %dma_start3A_39] : memref<2x100x120xi32, #tpu.memory_space<hbm>> -> memref<1x100x120xi32, #tpu.memory_space<hbm>>
        %dma_start3A_41 = tpu.memref_squeeze %dma_start3A_40 : memref<1x100x120xi32, #tpu.memory_space<hbm>> -> memref<100x120xi32, #tpu.memory_space<hbm>>
        %dma_start3A_42 = arith.constant 0 : i32
        %dma_start3A_43 = arith.constant 0 : i32
        %dma_start3A_44 = tpu.memref_slice %arg4[%run_scoped3A_13, %dma_start3A_42, %dma_start3A_43] : memref<2x100x120xi32, #tpu.memory_space<hbm>> -> memref<1x100x120xi32, #tpu.memory_space<hbm>>
        %dma_start3A_45 = tpu.memref_squeeze %dma_start3A_44 : memref<1x100x120xi32, #tpu.memory_space<hbm>> -> memref<100x120xi32, #tpu.memory_space<hbm>>
        tpu.enqueue_dma source(%dma_start3A_45 : memref<100x120xi32, #tpu.memory_space<hbm>>) target(%arg10 : memref<100x120xi32, #tpu.memory_space<vmem>>) target_semaphore(%run_scoped3A_37 : memref<!tpu.dma_semaphore, #tpu.memory_space<semaphore_mem>>)
        %dma_wait3A = arith.constant 0 : i32
        %dma_wait3A_46 = arith.constant 0 : i32
        %dma_wait3A_47 = tpu.memref_slice %arg4[%run_scoped3A_13, %dma_wait3A, %dma_wait3A_46] : memref<2x100x120xi32, #tpu.memory_space<hbm>> -> memref<1x100x120xi32, #tpu.memory_space<hbm>>
        %dma_wait3A_48 = tpu.memref_squeeze %dma_wait3A_47 : memref<1x100x120xi32, #tpu.memory_space<hbm>> -> memref<100x120xi32, #tpu.memory_space<hbm>>
        %dma_wait3A_49 = arith.constant 0 : i32
        %dma_wait3A_50 = arith.constant 0 : i32
        %dma_wait3A_51 = tpu.memref_slice %arg4[%run_scoped3A_13, %dma_wait3A_49, %dma_wait3A_50] : memref<2x100x120xi32, #tpu.memory_space<hbm>> -> memref<1x100x120xi32, #tpu.memory_space<hbm>>
        %dma_wait3A_52 = tpu.memref_squeeze %dma_wait3A_51 : memref<1x100x120xi32, #tpu.memory_space<hbm>> -> memref<100x120xi32, #tpu.memory_space<hbm>>
        tpu.wait_dma2 semaphore(%run_scoped3A_37 : memref<!tpu.dma_semaphore, #tpu.memory_space<semaphore_mem>>) src(%dma_wait3A_52 : memref<100x120xi32, #tpu.memory_space<hbm>>) dst(%arg10 : memref<100x120xi32, #tpu.memory_space<vmem>>)
        tpu.yield
      }) : () -> ()
      %dma_start3A = arith.constant 12000 : i32
      %dma_start3A_14 = arith.constant 0 : i32
      %dma_start3A_15 = tpu.memref_slice %arg2[%dma_start3A, %dma_start3A_14] : memref<24000x128xf32, #tpu.memory_space<hbm>> -> memref<120x128xf32, #tpu.memory_space<hbm>>
      %dma_start3A_16 = arith.constant 12000 : i32
      %dma_start3A_17 = arith.constant 0 : i32
      %dma_start3A_18 = tpu.memref_slice %arg2[%dma_start3A_16, %dma_start3A_17] : memref<24000x128xf32, #tpu.memory_space<hbm>> -> memref<120x128xf32, #tpu.memory_space<hbm>>
      tpu.enqueue_dma source(%dma_start3A_18 : memref<120x128xf32, #tpu.memory_space<hbm>>) target(%arg11 : memref<120x128xf32, #tpu.memory_space<vmem>>) target_semaphore(%arg15 : memref<!tpu.dma_semaphore, #tpu.memory_space<semaphore_mem>>)
      %scan3A_19 = arith.constant 0 : i32
      %scan3A_20 = arith.constant 0 : i32
      %scan3A_21 = arith.constant 50 : i32
      %scan3A_22 = arith.addi %scan3A_20, %scan3A_21 : i32
      %scan3A_23 = arith.constant 1 : i32
      scf.for %scan3A_37 = %scan3A_20 to %scan3A_22 step %scan3A_23  : i32 {
        %mul3A_38 = arith.constant 2 : i32
        %mul3A_39 = arith.muli %mul3A_38, %scan3A_37 : i32
        %mul3A_40 = arith.constant 2 : i32
        %mul3A_41 = arith.muli %mul3A_40, %scan3A_37 : i32
        %add3A_42 = arith.constant 1 : i32
        %add3A_43 = arith.addi %mul3A_41, %add3A_42 : i32
        %mul3A_44 = arith.constant 120 : i32
        %mul3A_45 = arith.muli %mul3A_39, %mul3A_44 : i32
        %add3A_46 = arith.constant 12000 : i32
        %add3A_47 = arith.addi %add3A_46, %mul3A_45 : i32
        %dma_wait3A = arith.constant 0 : i32
        %dma_wait3A_48 = tpu.memref_slice %arg2[%add3A_47, %dma_wait3A] : memref<24000x128xf32, #tpu.memory_space<hbm>> -> memref<120x128xf32, #tpu.memory_space<hbm>>
        %dma_wait3A_49 = arith.constant 0 : i32
        %dma_wait3A_50 = tpu.memref_slice %arg2[%add3A_47, %dma_wait3A_49] : memref<24000x128xf32, #tpu.memory_space<hbm>> -> memref<120x128xf32, #tpu.memory_space<hbm>>
        tpu.wait_dma2 semaphore(%arg15 : memref<!tpu.dma_semaphore, #tpu.memory_space<semaphore_mem>>) src(%dma_wait3A_50 : memref<120x128xf32, #tpu.memory_space<hbm>>) dst(%arg11 : memref<120x128xf32, #tpu.memory_space<vmem>>)
        %mul3A_51 = arith.constant 120 : i32
        %mul3A_52 = arith.muli %add3A_43, %mul3A_51 : i32
        %add3A_53 = arith.constant 12000 : i32
        %add3A_54 = arith.addi %add3A_53, %mul3A_52 : i32
        %dma_start3A_55 = arith.constant 0 : i32
        %dma_start3A_56 = tpu.memref_slice %arg2[%add3A_54, %dma_start3A_55] : memref<24000x128xf32, #tpu.memory_space<hbm>> -> memref<120x128xf32, #tpu.memory_space<hbm>>
        %dma_start3A_57 = arith.constant 0 : i32
        %dma_start3A_58 = tpu.memref_slice %arg2[%add3A_54, %dma_start3A_57] : memref<24000x128xf32, #tpu.memory_space<hbm>> -> memref<120x128xf32, #tpu.memory_space<hbm>>
        tpu.enqueue_dma source(%dma_start3A_58 : memref<120x128xf32, #tpu.memory_space<hbm>>) target(%arg12 : memref<120x128xf32, #tpu.memory_space<vmem>>) target_semaphore(%arg16 : memref<!tpu.dma_semaphore, #tpu.memory_space<semaphore_mem>>)
        "tpu.region"() ({
          %run_scoped3A_81 = tpu.sem_alloc : memref<!tpu.dma_semaphore, #tpu.memory_space<semaphore_mem>>
          %dma_start3A_82 = arith.constant 0 : i32
          %dma_start3A_83 = tpu.memref_slice %arg9[%mul3A_39, %dma_start3A_82] : memref<100x120xi32, #tpu.memory_space<vmem>> -> memref<1x120xi32, #tpu.memory_space<vmem>>
          %dma_start3A_84 = tpu.memref_squeeze %dma_start3A_83 : memref<1x120xi32, #tpu.memory_space<vmem>> -> memref<120xi32, #tpu.memory_space<vmem>>
          %dma_start3A_85 = arith.constant 0 : i32
          %dma_start3A_86 = arith.constant 0 : i32
          %dma_start3A_87 = tpu.memref_slice %arg7[%dma_start3A_85, %dma_start3A_86] : memref<500000x128xf32, #tpu.memory_space<hbm>> -> memref<500000x128xf32, #tpu.memory_space<hbm>>
          tpu.enqueue_indirect_dma source(%arg11 : memref<120x128xf32, #tpu.memory_space<vmem>>) target(%dma_start3A_87 : memref<500000x128xf32, #tpu.memory_space<hbm>>) offsets(%dma_start3A_84 : memref<120xi32, #tpu.memory_space<vmem>>) semaphore(%run_scoped3A_81 : memref<!tpu.dma_semaphore, #tpu.memory_space<semaphore_mem>>)
          %dma_wait3A_88 = arith.constant 0 : i32
          %dma_wait3A_89 = tpu.memref_slice %arg9[%mul3A_39, %dma_wait3A_88] : memref<100x120xi32, #tpu.memory_space<vmem>> -> memref<1x120xi32, #tpu.memory_space<vmem>>
          %dma_wait3A_90 = tpu.memref_squeeze %dma_wait3A_89 : memref<1x120xi32, #tpu.memory_space<vmem>> -> memref<120xi32, #tpu.memory_space<vmem>>
          %dma_wait3A_91 = arith.constant 0 : i32
          %dma_wait3A_92 = arith.constant 0 : i32
          %dma_wait3A_93 = tpu.memref_slice %arg7[%dma_wait3A_91, %dma_wait3A_92] : memref<500000x128xf32, #tpu.memory_space<hbm>> -> memref<500000x128xf32, #tpu.memory_space<hbm>>
          tpu.wait_indirect_dma semaphore(%run_scoped3A_81 : memref<!tpu.dma_semaphore, #tpu.memory_space<semaphore_mem>>) src(%arg11 : memref<120x128xf32, #tpu.memory_space<vmem>>) dst(%dma_wait3A_93 : memref<500000x128xf32, #tpu.memory_space<hbm>>)
          tpu.yield
        }) : () -> ()
        %dma_start3A_59 = arith.constant 0 : i32
        %dma_start3A_60 = tpu.memref_slice %arg10[%mul3A_39, %dma_start3A_59] : memref<100x120xi32, #tpu.memory_space<vmem>> -> memref<1x120xi32, #tpu.memory_space<vmem>>
        %dma_start3A_61 = tpu.memref_squeeze %dma_start3A_60 : memref<1x120xi32, #tpu.memory_space<vmem>> -> memref<120xi32, #tpu.memory_space<vmem>>
        %dma_start3A_62 = arith.constant 0 : i32
        %dma_start3A_63 = tpu.memref_slice %arg18[%dma_start3A_62] : memref<250000xi32, #tpu.memory_space<vmem_shared>> -> memref<250000xi32, #tpu.memory_space<vmem_shared>>
        tpu.enqueue_indirect_dma source(%arg13 : memref<120xi32, #tpu.memory_space<vmem>>) target(%dma_start3A_63 : memref<250000xi32, #tpu.memory_space<vmem_shared>>) offsets(%dma_start3A_61 : memref<120xi32, #tpu.memory_space<vmem>>) semaphore(%arg17 : memref<!tpu.dma_semaphore, #tpu.memory_space<semaphore_mem>>) {add = true}
        %mul3A_64 = arith.constant 120 : i32
        %mul3A_65 = arith.muli %add3A_43, %mul3A_64 : i32
        %add3A_66 = arith.constant 12000 : i32
        %add3A_67 = arith.addi %add3A_66, %mul3A_65 : i32
        %dma_wait3A_68 = arith.constant 0 : i32
        %dma_wait3A_69 = tpu.memref_slice %arg2[%add3A_67, %dma_wait3A_68] : memref<24000x128xf32, #tpu.memory_space<hbm>> -> memref<120x128xf32, #tpu.memory_space<hbm>>
        %dma_wait3A_70 = arith.constant 0 : i32
        %dma_wait3A_71 = tpu.memref_slice %arg2[%add3A_67, %dma_wait3A_70] : memref<24000x128xf32, #tpu.memory_space<hbm>> -> memref<120x128xf32, #tpu.memory_space<hbm>>
        tpu.wait_dma2 semaphore(%arg16 : memref<!tpu.dma_semaphore, #tpu.memory_space<semaphore_mem>>) src(%dma_wait3A_71 : memref<120x128xf32, #tpu.memory_space<hbm>>) dst(%arg12 : memref<120x128xf32, #tpu.memory_space<vmem>>)
        %lt3A = arith.constant 49 : i32
        %lt3A_72 = arith.cmpi slt, %scan3A_37, %lt3A : i32
        %convert_element_type3A_73 = arith.extui %lt3A_72 : i1 to i32
        %cond3A_74 = arith.constant 0 : i32
        %cond3A_75 = arith.cmpi ne, %convert_element_type3A_73, %cond3A_74 : i32
        scf.if %cond3A_75 {
          %add3A_81 = arith.constant 1 : i32
          %add3A_82 = arith.addi %add3A_43, %add3A_81 : i32
          %mul3A_83 = arith.constant 120 : i32
          %mul3A_84 = arith.muli %add3A_82, %mul3A_83 : i32
          %add3A_85 = arith.constant 12000 : i32
          %add3A_86 = arith.addi %add3A_85, %mul3A_84 : i32
          %dma_start3A_87 = arith.constant 0 : i32
          %dma_start3A_88 = tpu.memref_slice %arg2[%add3A_86, %dma_start3A_87] : memref<24000x128xf32, #tpu.memory_space<hbm>> -> memref<120x128xf32, #tpu.memory_space<hbm>>
          %dma_start3A_89 = arith.constant 0 : i32
          %dma_start3A_90 = tpu.memref_slice %arg2[%add3A_86, %dma_start3A_89] : memref<24000x128xf32, #tpu.memory_space<hbm>> -> memref<120x128xf32, #tpu.memory_space<hbm>>
          tpu.enqueue_dma source(%dma_start3A_90 : memref<120x128xf32, #tpu.memory_space<hbm>>) target(%arg11 : memref<120x128xf32, #tpu.memory_space<vmem>>) target_semaphore(%arg15 : memref<!tpu.dma_semaphore, #tpu.memory_space<semaphore_mem>>)
        } else {
        }
        "tpu.region"() ({
          %run_scoped3A_81 = tpu.sem_alloc : memref<!tpu.dma_semaphore, #tpu.memory_space<semaphore_mem>>
          %dma_start3A_82 = arith.constant 0 : i32
          %dma_start3A_83 = tpu.memref_slice %arg9[%add3A_43, %dma_start3A_82] : memref<100x120xi32, #tpu.memory_space<vmem>> -> memref<1x120xi32, #tpu.memory_space<vmem>>
          %dma_start3A_84 = tpu.memref_squeeze %dma_start3A_83 : memref<1x120xi32, #tpu.memory_space<vmem>> -> memref<120xi32, #tpu.memory_space<vmem>>
          %dma_start3A_85 = arith.constant 0 : i32
          %dma_start3A_86 = arith.constant 0 : i32
          %dma_start3A_87 = tpu.memref_slice %arg7[%dma_start3A_85, %dma_start3A_86] : memref<500000x128xf32, #tpu.memory_space<hbm>> -> memref<500000x128xf32, #tpu.memory_space<hbm>>
          tpu.enqueue_indirect_dma source(%arg12 : memref<120x128xf32, #tpu.memory_space<vmem>>) target(%dma_start3A_87 : memref<500000x128xf32, #tpu.memory_space<hbm>>) offsets(%dma_start3A_84 : memref<120xi32, #tpu.memory_space<vmem>>) semaphore(%run_scoped3A_81 : memref<!tpu.dma_semaphore, #tpu.memory_space<semaphore_mem>>)
          %dma_wait3A_88 = arith.constant 0 : i32
          %dma_wait3A_89 = tpu.memref_slice %arg9[%add3A_43, %dma_wait3A_88] : memref<100x120xi32, #tpu.memory_space<vmem>> -> memref<1x120xi32, #tpu.memory_space<vmem>>
          %dma_wait3A_90 = tpu.memref_squeeze %dma_wait3A_89 : memref<1x120xi32, #tpu.memory_space<vmem>> -> memref<120xi32, #tpu.memory_space<vmem>>
          %dma_wait3A_91 = arith.constant 0 : i32
          %dma_wait3A_92 = arith.constant 0 : i32
          %dma_wait3A_93 = tpu.memref_slice %arg7[%dma_wait3A_91, %dma_wait3A_92] : memref<500000x128xf32, #tpu.memory_space<hbm>> -> memref<500000x128xf32, #tpu.memory_space<hbm>>
          tpu.wait_indirect_dma semaphore(%run_scoped3A_81 : memref<!tpu.dma_semaphore, #tpu.memory_space<semaphore_mem>>) src(%arg12 : memref<120x128xf32, #tpu.memory_space<vmem>>) dst(%dma_wait3A_93 : memref<500000x128xf32, #tpu.memory_space<hbm>>)
          tpu.yield
        }) : () -> ()
        %dma_start3A_76 = arith.constant 0 : i32
        %dma_start3A_77 = tpu.memref_slice %arg10[%add3A_43, %dma_start3A_76] : memref<100x120xi32, #tpu.memory_space<vmem>> -> memref<1x120xi32, #tpu.memory_space<vmem>>
        %dma_start3A_78 = tpu.memref_squeeze %dma_start3A_77 : memref<1x120xi32, #tpu.memory_space<vmem>> -> memref<120xi32, #tpu.memory_space<vmem>>
        %dma_start3A_79 = arith.constant 0 : i32
        %dma_start3A_80 = tpu.memref_slice %arg18[%dma_start3A_79] : memref<250000xi32, #tpu.memory_space<vmem_shared>> -> memref<250000xi32, #tpu.memory_space<vmem_shared>>
        tpu.enqueue_indirect_dma source(%arg13 : memref<120xi32, #tpu.memory_space<vmem>>) target(%dma_start3A_80 : memref<250000xi32, #tpu.memory_space<vmem_shared>>) offsets(%dma_start3A_78 : memref<120xi32, #tpu.memory_space<vmem>>) semaphore(%arg17 : memref<!tpu.dma_semaphore, #tpu.memory_space<semaphore_mem>>) {add = true}
      }
      %scan3A_24 = arith.constant 50 : i32
      %scan3A_25 = arith.constant 0 : i32
      %scan3A_26 = arith.constant 0 : i32
      %scan3A_27 = arith.constant 100 : i32
      %scan3A_28 = arith.addi %scan3A_26, %scan3A_27 : i32
      %scan3A_29 = arith.constant 1 : i32
      scf.for %scan3A_37 = %scan3A_26 to %scan3A_28 step %scan3A_29  : i32 {
        %dma_wait3A = arith.constant 0 : i32
        %dma_wait3A_38 = tpu.memref_slice %arg10[%scan3A_37, %dma_wait3A] : memref<100x120xi32, #tpu.memory_space<vmem>> -> memref<1x120xi32, #tpu.memory_space<vmem>>
        %dma_wait3A_39 = tpu.memref_squeeze %dma_wait3A_38 : memref<1x120xi32, #tpu.memory_space<vmem>> -> memref<120xi32, #tpu.memory_space<vmem>>
        %dma_wait3A_40 = arith.constant 0 : i32
        %dma_wait3A_41 = tpu.memref_slice %arg18[%dma_wait3A_40] : memref<250000xi32, #tpu.memory_space<vmem_shared>> -> memref<250000xi32, #tpu.memory_space<vmem_shared>>
        tpu.wait_indirect_dma semaphore(%arg17 : memref<!tpu.dma_semaphore, #tpu.memory_space<semaphore_mem>>) src(%arg13 : memref<120xi32, #tpu.memory_space<vmem>>) dst(%dma_wait3A_41 : memref<250000xi32, #tpu.memory_space<vmem_shared>>)
      }
      %scan3A_30 = arith.constant 100 : i32
      %scan3A_31 = arith.constant 0 : i32
      %scan3A_32 = arith.constant 0 : i32
      %scan3A_33 = arith.constant 10 : i32
      %scan3A_34 = arith.addi %scan3A_32, %scan3A_33 : i32
      %scan3A_35 = arith.constant 1 : i32
      scf.for %scan3A_37 = %scan3A_32 to %scan3A_34 step %scan3A_35  : i32 {
        %mul3A_38 = arith.constant 25000 : i32
        %mul3A_39 = arith.muli %scan3A_37, %mul3A_38 : i32
        "tpu.region"() ({
          %run_scoped3A_44 = tpu.sem_alloc : memref<!tpu.dma_semaphore, #tpu.memory_space<semaphore_mem>>
          %dma_start3A_45 = tpu.memref_slice %arg18[%mul3A_39] : memref<250000xi32, #tpu.memory_space<vmem_shared>> -> memref<25000xi32, #tpu.memory_space<vmem_shared>>
          %dma_start3A_46 = tpu.memref_slice %arg18[%mul3A_39] : memref<250000xi32, #tpu.memory_space<vmem_shared>> -> memref<25000xi32, #tpu.memory_space<vmem_shared>>
          tpu.enqueue_dma source(%dma_start3A_46 : memref<25000xi32, #tpu.memory_space<vmem_shared>>) target(%arg14 : memref<25000xi32, #tpu.memory_space<vmem>>) target_semaphore(%run_scoped3A_44 : memref<!tpu.dma_semaphore, #tpu.memory_space<semaphore_mem>>)
          %dma_wait3A = tpu.memref_slice %arg18[%mul3A_39] : memref<250000xi32, #tpu.memory_space<vmem_shared>> -> memref<25000xi32, #tpu.memory_space<vmem_shared>>
          %dma_wait3A_47 = tpu.memref_slice %arg18[%mul3A_39] : memref<250000xi32, #tpu.memory_space<vmem_shared>> -> memref<25000xi32, #tpu.memory_space<vmem_shared>>
          tpu.wait_dma2 semaphore(%run_scoped3A_44 : memref<!tpu.dma_semaphore, #tpu.memory_space<semaphore_mem>>) src(%dma_wait3A_47 : memref<25000xi32, #tpu.memory_space<vmem_shared>>) dst(%arg14 : memref<25000xi32, #tpu.memory_space<vmem>>)
          tpu.yield
        }) : () -> ()
        %mul3A_40 = arith.constant 25000 : i32
        %mul3A_41 = arith.muli %scan3A_37, %mul3A_40 : i32
        %add3A_42 = arith.constant 250000 : i32
        %add3A_43 = arith.addi %add3A_42, %mul3A_41 : i32
        "tpu.region"() ({
          %run_scoped3A_44 = tpu.sem_alloc : memref<!tpu.dma_semaphore, #tpu.memory_space<semaphore_mem>>
          %dma_start3A_45 = tpu.memref_slice %arg8[%add3A_43] : memref<500000xi32, #tpu.memory_space<hbm>> -> memref<25000xi32, #tpu.memory_space<hbm>>
          %dma_start3A_46 = tpu.memref_slice %arg8[%add3A_43] : memref<500000xi32, #tpu.memory_space<hbm>> -> memref<25000xi32, #tpu.memory_space<hbm>>
          tpu.enqueue_dma source(%arg14 : memref<25000xi32, #tpu.memory_space<vmem>>) target(%dma_start3A_46 : memref<25000xi32, #tpu.memory_space<hbm>>) target_semaphore(%run_scoped3A_44 : memref<!tpu.dma_semaphore, #tpu.memory_space<semaphore_mem>>)
          %dma_wait3A = tpu.memref_slice %arg8[%add3A_43] : memref<500000xi32, #tpu.memory_space<hbm>> -> memref<25000xi32, #tpu.memory_space<hbm>>
          %dma_wait3A_47 = tpu.memref_slice %arg8[%add3A_43] : memref<500000xi32, #tpu.memory_space<hbm>> -> memref<25000xi32, #tpu.memory_space<hbm>>
          tpu.wait_dma2 semaphore(%run_scoped3A_44 : memref<!tpu.dma_semaphore, #tpu.memory_space<semaphore_mem>>) src(%arg14 : memref<25000xi32, #tpu.memory_space<vmem>>) dst(%dma_wait3A_47 : memref<25000xi32, #tpu.memory_space<hbm>>)
          tpu.yield
        }) : () -> ()
      }
      %scan3A_36 = arith.constant 10 : i32
    } else {
    }
    return
  }
}

module attributes {stable_mosaic.version = 14 : i64} {
  func.func @_encode_body(%arg0: i32, %arg1: i32, %arg2: memref<1x10x9600xf32, #tpu.memory_space<vmem>>, %arg3: memref<64x10xf32, #tpu.memory_space<vmem>>, %arg4: memref<1x96x64xf32, #tpu.memory_space<vmem>>, %arg5: memref<1x1x2x64xf32, #tpu.memory_space<vmem>>) attributes {dimension_semantics = [#tpu.dimension_semantics<arbitrary>, #tpu.dimension_semantics<arbitrary>], iteration_bounds = array<i64: 2, 125>, scalar_prefetch = 0 : i64, scratch_operands = 0 : i64, tpu.core_type = #tpu.core_type<tc>, window_params = [{transform_indices = @transform_0, window_bounds = array<i64: 1, 10, 9600>}, {pipeline_mode = #tpu.pipeline_mode<synchronous>, transform_indices = @transform_1, window_bounds = array<i64: 64, 10>}, {transform_indices = @transform_2, window_bounds = array<i64: 1, 96, 64>}, {transform_indices = @transform_3, window_bounds = array<i64: 1, 1, 2, 64>}]} {
    %get3A = arith.constant 0 : index
    %get3A_0 = arith.constant 0 : index
    %get3A_1 = arith.constant 0 : index
    %get3A_2 = vector.load %arg2[%get3A, %get3A_0, %get3A_1] : memref<1x10x9600xf32, #tpu.memory_space<vmem>>, vector<1x10x9600xf32>
    %get3A_3 = vector.shape_cast %get3A_2 : vector<1x10x9600xf32> to vector<10x9600xf32>
    %get3A_4 = arith.constant 0 : index
    %get3A_5 = arith.constant 0 : index
    %get3A_6 = vector.load %arg3[%get3A_4, %get3A_5] : memref<64x10xf32, #tpu.memory_space<vmem>>, vector<64x10xf32>
    %dot_general3A = arith.constant dense<0.000000e+00> : vector<64x9600xf32>
    %dot_general3A_7 = tpu.matmul %get3A_6, %get3A_3, %dot_general3A {dimension_numbers = #tpu.dot_dimension_numbers<[1], [0], [0], [1], [0, 0, 1, 1], [], []>, transpose_lhs_hint = false} : vector<64x10xf32>, vector<10x9600xf32>, vector<64x9600xf32> -> vector<64x9600xf32>
    %reduce_sum3A = arith.constant dense<0.000000e+00> : vector<64xf32>
    %reduce_sum3A_8 = vector.multi_reduction <add>, %dot_general3A_7, %reduce_sum3A [1] : vector<64x9600xf32> to vector<64xf32>
    %mul3A = arith.mulf %dot_general3A_7, %dot_general3A_7 : vector<64x9600xf32>
    %reduce_sum3A_9 = arith.constant dense<0.000000e+00> : vector<64xf32>
    %reduce_sum3A_10 = vector.multi_reduction <add>, %mul3A, %reduce_sum3A_9 [1] : vector<64x9600xf32> to vector<64xf32>
    %stack3A = vector.shape_cast %reduce_sum3A_8 : vector<64xf32> to vector<1x64xf32>
    %stack3A_11 = vector.shape_cast %reduce_sum3A_10 : vector<64xf32> to vector<1x64xf32>
    %stack3A_12 = tpu.concatenate %stack3A, %stack3A_11 in 0 : vector<1x64xf32>, vector<1x64xf32> -> vector<2x64xf32>
    %swap3A = arith.constant 0 : index
    %swap3A_13 = arith.constant 0 : index
    %swap3A_14 = arith.constant 0 : index
    %swap3A_15 = arith.constant 0 : index
    %swap3A_16 = vector.load %arg5[%swap3A, %swap3A_13, %swap3A_14, %swap3A_15] : memref<1x1x2x64xf32, #tpu.memory_space<vmem>>, vector<1x1x2x64xf32>
    %swap3A_17 = vector.shape_cast %swap3A_16 : vector<1x1x2x64xf32> to vector<2x64xf32>
    %swap3A_18 = vector.shape_cast %stack3A_12 : vector<2x64xf32> to vector<1x1x2x64xf32>
    tpu.vector_store %arg5[%swap3A, %swap3A_13, %swap3A_14, %swap3A_15], %swap3A_18 {strides = array<i32>} : memref<1x1x2x64xf32, #tpu.memory_space<vmem>>, vector<1x1x2x64xf32>,
    %reshape3A = vector.shape_cast %dot_general3A_7 : vector<64x9600xf32> to vector<64x96x100xf32>
    %reduce_max3A = arith.constant dense<0xFF800000> : vector<64x96xf32>
    %reduce_max3A_19 = vector.multi_reduction <maximumf>, %reshape3A, %reduce_max3A [2] : vector<64x96x100xf32> to vector<64x96xf32>
    %transpose3A = tpu.transpose %reduce_max3A_19, [1, 0] : vector<64x96xf32> -> vector<96x64xf32>
    %swap3A_20 = arith.constant 0 : index
    %swap3A_21 = arith.constant 0 : index
    %swap3A_22 = arith.constant 0 : index
    %swap3A_23 = vector.load %arg4[%swap3A_20, %swap3A_21, %swap3A_22] : memref<1x96x64xf32, #tpu.memory_space<vmem>>, vector<1x96x64xf32>
    %swap3A_24 = vector.shape_cast %swap3A_23 : vector<1x96x64xf32> to vector<96x64xf32>
    %swap3A_25 = vector.shape_cast %transpose3A : vector<96x64xf32> to vector<1x96x64xf32>
    tpu.vector_store %arg4[%swap3A_20, %swap3A_21, %swap3A_22], %swap3A_25 {strides = array<i32>} : memref<1x96x64xf32, #tpu.memory_space<vmem>>, vector<1x96x64xf32>,
    return
  }
  func.func @transform_0(%arg0: i32, %arg1: i32) -> (i32, i32, i32) {
    %c0_i32 = arith.constant 0 : i32
    %c0_i32_0 = arith.constant 0 : i32
    return %arg0, %c0_i32, %arg1 : i32, i32, i32
  }
  func.func @transform_1(%arg0: i32, %arg1: i32) -> (i32, i32) {
    %c0_i32 = arith.constant 0 : i32
    %c0_i32_0 = arith.constant 0 : i32
    %c0_i32_1 = arith.constant 0 : i32
    return %c0_i32, %c0_i32_0 : i32, i32
  }
  func.func @transform_2(%arg0: i32, %arg1: i32) -> (i32, i32, i32) {
    %c0_i32 = arith.constant 0 : i32
    %c0_i32_0 = arith.constant 0 : i32
    return %arg0, %arg1, %c0_i32 : i32, i32, i32
  }
  func.func @transform_3(%arg0: i32, %arg1: i32) -> (i32, i32, i32, i32) {
    %c0_i32 = arith.constant 0 : i32
    %c0_i32_0 = arith.constant 0 : i32
    %c0_i32_1 = arith.constant 0 : i32
    return %arg0, %arg1, %c0_i32, %c0_i32_0 : i32, i32, i32, i32
  }
}

module attributes {stable_mosaic.version = 14 : i64} {
  func.func @_affine_body(%arg0: i32, %arg1: memref<1x12000x64xf32, #tpu.memory_space<vmem>>, %arg2: memref<1x2x64xf32, #tpu.memory_space<vmem>>, %arg3: memref<1x2x12000xi32, #tpu.memory_space<vmem>>, %arg4: memref<1x12000x128xf32, #tpu.memory_space<vmem>>, %arg5: memref<1x1x12000xi32, #tpu.memory_space<vmem>>, %arg6: memref<1x1x12000xi32, #tpu.memory_space<vmem>>) attributes {dimension_semantics = [#tpu.dimension_semantics<arbitrary>], iteration_bounds = array<i64: 2>, scalar_prefetch = 0 : i64, scratch_operands = 0 : i64, tpu.core_type = #tpu.core_type<tc>, window_params = [{transform_indices = @transform_0, window_bounds = array<i64: 1, 12000, 64>}, {pipeline_mode = #tpu.pipeline_mode<synchronous>, transform_indices = @transform_1, window_bounds = array<i64: 1, 2, 64>}, {transform_indices = @transform_2, window_bounds = array<i64: 1, 2, 12000>}, {transform_indices = @transform_3, window_bounds = array<i64: 1, 12000, 128>}, {transform_indices = @transform_4, window_bounds = array<i64: 1, 1, 12000>}, {transform_indices = @transform_5, window_bounds = array<i64: 1, 1, 12000>}]} {
    %get3A = arith.constant 0 : index
    %get3A_0 = arith.constant 0 : index
    %get3A_1 = arith.constant 0 : index
    %get3A_2 = vector.load %arg2[%get3A, %get3A_0, %get3A_1] : memref<1x2x64xf32, #tpu.memory_space<vmem>>, vector<1x1x64xf32>
    %get3A_3 = vector.shape_cast %get3A_2 : vector<1x1x64xf32> to vector<64xf32>
    %get3A_4 = arith.constant 0 : index
    %get3A_5 = arith.constant 1 : index
    %get3A_6 = arith.constant 0 : index
    %get3A_7 = vector.load %arg2[%get3A_4, %get3A_5, %get3A_6] : memref<1x2x64xf32, #tpu.memory_space<vmem>>, vector<1x1x64xf32>
    %get3A_8 = vector.shape_cast %get3A_7 : vector<1x1x64xf32> to vector<64xf32>
    %get3A_9 = arith.constant 0 : index
    %get3A_10 = arith.constant 0 : index
    %get3A_11 = arith.constant 0 : index
    %get3A_12 = vector.load %arg1[%get3A_9, %get3A_10, %get3A_11] : memref<1x12000x64xf32, #tpu.memory_space<vmem>>, vector<1x12000x64xf32>
    %get3A_13 = vector.shape_cast %get3A_12 : vector<1x12000x64xf32> to vector<12000x64xf32>
    %broadcast_in_dim3A = vector.shape_cast %get3A_3 : vector<64xf32> to vector<1x64xf32>
    %mul3A = vector.broadcast %broadcast_in_dim3A : vector<1x64xf32> to vector<12000x64xf32>
    %mul3A_14 = arith.mulf %get3A_13, %mul3A : vector<12000x64xf32>
    %broadcast_in_dim3A_15 = vector.shape_cast %get3A_8 : vector<64xf32> to vector<1x64xf32>
    %add3A = vector.broadcast %broadcast_in_dim3A_15 : vector<1x64xf32> to vector<12000x64xf32>
    %add3A_16 = arith.addf %mul3A_14, %add3A : vector<12000x64xf32>
    %max3A = arith.constant 0.000000e+00 : f32
    %max3A_17 = vector.broadcast %max3A : f32 to vector<12000x64xf32>
    %max3A_18 = arith.maximumf %add3A_16, %max3A_17 : vector<12000x64xf32>
    %broadcast_in_dim3A_19 = arith.constant 0.000000e+00 : f32
    %broadcast_in_dim3A_20 = vector.broadcast %broadcast_in_dim3A_19 : f32 to vector<12000x64xf32>
    %concatenate3A = tpu.concatenate %max3A_18, %broadcast_in_dim3A_20 in 1 : vector<12000x64xf32>, vector<12000x64xf32> -> vector<12000x128xf32>
    %swap3A = arith.constant 0 : index
    %swap3A_21 = arith.constant 0 : index
    %swap3A_22 = arith.constant 0 : index
    %swap3A_23 = vector.load %arg4[%swap3A, %swap3A_21, %swap3A_22] : memref<1x12000x128xf32, #tpu.memory_space<vmem>>, vector<1x12000x128xf32>
    %swap3A_24 = vector.shape_cast %swap3A_23 : vector<1x12000x128xf32> to vector<12000x128xf32>
    %swap3A_25 = vector.shape_cast %concatenate3A : vector<12000x128xf32> to vector<1x12000x128xf32>
    tpu.vector_store %arg4[%swap3A, %swap3A_21, %swap3A_22], %swap3A_25 {strides = array<i32>} : memref<1x12000x128xf32, #tpu.memory_space<vmem>>, vector<1x12000x128xf32>,
    %get3A_26 = arith.constant 0 : index
    %get3A_27 = arith.constant 0 : index
    %get3A_28 = arith.constant 0 : index
    %get3A_29 = vector.load %arg3[%get3A_26, %get3A_27, %get3A_28] : memref<1x2x12000xi32, #tpu.memory_space<vmem>>, vector<1x1x12000xi32>
    %get3A_30 = vector.shape_cast %get3A_29 : vector<1x1x12000xi32> to vector<12000xi32>
    %get3A_31 = arith.constant 0 : index
    %get3A_32 = arith.constant 1 : index
    %get3A_33 = arith.constant 0 : index
    %get3A_34 = vector.load %arg3[%get3A_31, %get3A_32, %get3A_33] : memref<1x2x12000xi32, #tpu.memory_space<vmem>>, vector<1x1x12000xi32>
    %get3A_35 = vector.shape_cast %get3A_34 : vector<1x1x12000xi32> to vector<12000xi32>
    %mul3A_36 = arith.constant 500 : i32
    %mul3A_37 = vector.broadcast %mul3A_36 : i32 to vector<12000xi32>
    %mul3A_38 = arith.muli %get3A_30, %mul3A_37 : vector<12000xi32>
    %add3A_39 = arith.addi %mul3A_38, %get3A_35 : vector<12000xi32>
    %swap3A_40 = arith.constant 0 : index
    %swap3A_41 = arith.constant 0 : index
    %swap3A_42 = arith.constant 0 : index
    %swap3A_43 = vector.load %arg6[%swap3A_40, %swap3A_41, %swap3A_42] : memref<1x1x12000xi32, #tpu.memory_space<vmem>>, vector<1x1x12000xi32>
    %swap3A_44 = vector.shape_cast %swap3A_43 : vector<1x1x12000xi32> to vector<12000xi32>
    %swap3A_45 = vector.shape_cast %add3A_39 : vector<12000xi32> to vector<1x1x12000xi32>
    tpu.vector_store %arg6[%swap3A_40, %swap3A_41, %swap3A_42], %swap3A_45 {strides = array<i32>} : memref<1x1x12000xi32, #tpu.memory_space<vmem>>, vector<1x1x12000xi32>,
    %mul3A_46 = arith.constant 250000 : i32
    %mul3A_47 = arith.muli %arg0, %mul3A_46 : i32
    %add3A_48 = vector.broadcast %mul3A_47 : i32 to vector<12000xi32>
    %add3A_49 = arith.addi %add3A_39, %add3A_48 : vector<12000xi32>
    %swap3A_50 = arith.constant 0 : index
    %swap3A_51 = arith.constant 0 : index
    %swap3A_52 = arith.constant 0 : index
    %swap3A_53 = vector.load %arg5[%swap3A_50, %swap3A_51, %swap3A_52] : memref<1x1x12000xi32, #tpu.memory_space<vmem>>, vector<1x1x12000xi32>
    %swap3A_54 = vector.shape_cast %swap3A_53 : vector<1x1x12000xi32> to vector<12000xi32>
    %swap3A_55 = vector.shape_cast %add3A_49 : vector<12000xi32> to vector<1x1x12000xi32>
    tpu.vector_store %arg5[%swap3A_50, %swap3A_51, %swap3A_52], %swap3A_55 {strides = array<i32>} : memref<1x1x12000xi32, #tpu.memory_space<vmem>>, vector<1x1x12000xi32>,
    return
  }
  func.func @transform_0(%arg0: i32) -> (i32, i32, i32) {
    %c0_i32 = arith.constant 0 : i32
    %c0_i32_0 = arith.constant 0 : i32
    %c0_i32_1 = arith.constant 0 : i32
    return %arg0, %c0_i32, %c0_i32_0 : i32, i32, i32
  }
  func.func @transform_1(%arg0: i32) -> (i32, i32, i32) {
    %c0_i32 = arith.constant 0 : i32
    %c0_i32_0 = arith.constant 0 : i32
    %c0_i32_1 = arith.constant 0 : i32
    %c0_i32_2 = arith.constant 0 : i32
    return %c0_i32, %c0_i32_0, %c0_i32_1 : i32, i32, i32
  }
  func.func @transform_2(%arg0: i32) -> (i32, i32, i32) {
    %c0_i32 = arith.constant 0 : i32
    %c0_i32_0 = arith.constant 0 : i32
    %c0_i32_1 = arith.constant 0 : i32
    return %arg0, %c0_i32, %c0_i32_0 : i32, i32, i32
  }
  func.func @transform_3(%arg0: i32) -> (i32, i32, i32) {
    %c0_i32 = arith.constant 0 : i32
    %c0_i32_0 = arith.constant 0 : i32
    %c0_i32_1 = arith.constant 0 : i32
    return %arg0, %c0_i32, %c0_i32_0 : i32, i32, i32
  }
  func.func @transform_4(%arg0: i32) -> (i32, i32, i32) {
    %c0_i32 = arith.constant 0 : i32
    %c0_i32_0 = arith.constant 0 : i32
    %c0_i32_1 = arith.constant 0 : i32
    return %arg0, %c0_i32, %c0_i32_0 : i32, i32, i32
  }
  func.func @transform_5(%arg0: i32) -> (i32, i32, i32) {
    %c0_i32 = arith.constant 0 : i32
    %c0_i32_0 = arith.constant 0 : i32
    %c0_i32_1 = arith.constant 0 : i32
    return %arg0, %c0_i32, %c0_i32_0 : i32, i32, i32
  }
}

module attributes {stable_mosaic.version = 14 : i64} {
  func.func @_relayout_body(%arg0: i32, %arg1: i32, %arg2: memref<1x2000x128xf32, #tpu.memory_space<vmem>>, %arg3: memref<1x1x1x2000xi32, #tpu.memory_space<vmem>>, %arg4: memref<1x64x1x4x500xf32, #tpu.memory_space<vmem>>) attributes {dimension_semantics = [#tpu.dimension_semantics<arbitrary>, #tpu.dimension_semantics<arbitrary>], iteration_bounds = array<i64: 2, 125>, scalar_prefetch = 0 : i64, scratch_operands = 0 : i64, tpu.core_type = #tpu.core_type<tc>, window_params = [{transform_indices = @transform_0, window_bounds = array<i64: 1, 2000, 128>}, {transform_indices = @transform_1, window_bounds = array<i64: 1, 1, 1, 2000>}, {transform_indices = @transform_2, window_bounds = array<i64: 1, 64, 1, 4, 500>}]} {
    %get3A = arith.constant 0 : index
    %get3A_0 = arith.constant 0 : index
    %get3A_1 = arith.constant 0 : index
    %get3A_2 = arith.constant 0 : index
    %get3A_3 = vector.load %arg3[%get3A, %get3A_0, %get3A_1, %get3A_2] : memref<1x1x1x2000xi32, #tpu.memory_space<vmem>>, vector<1x1x1x2000xi32>
    %get3A_4 = vector.shape_cast %get3A_3 : vector<1x1x1x2000xi32> to vector<1x2000xi32>
    %get3A_5 = arith.constant 0 : index
    %get3A_6 = arith.constant 0 : index
    %get3A_7 = arith.constant 0 : index
    %get3A_8 = vector.load %arg2[%get3A_5, %get3A_6, %get3A_7] : memref<1x2000x128xf32, #tpu.memory_space<vmem>>, vector<1x2000x64xf32>
    %get3A_9 = vector.shape_cast %get3A_8 : vector<1x2000x64xf32> to vector<2000x64xf32>
    %ne3A = arith.constant 0 : i32
    %ne3A_10 = vector.broadcast %ne3A : i32 to vector<1x2000xi32>
    %ne3A_11 = arith.cmpi ne, %get3A_4, %ne3A_10 : vector<1x2000xi32>
    %transpose3A = tpu.transpose %get3A_9, [1, 0] : vector<2000x64xf32> -> vector<64x2000xf32>
    %jit3A = arith.constant 0.000000e+00 : f32
    %broadcast_in_dim3A = vector.shape_cast %ne3A_11 : vector<1x2000xi1> to vector<1x2000xi1>
    %broadcast_in_dim3A_12 = vector.broadcast %broadcast_in_dim3A : vector<1x2000xi1> to vector<64x2000xi1>
    %broadcast_in_dim3A_13 = vector.broadcast %jit3A : f32 to vector<64x2000xf32>
    %select_n3A = arith.select %broadcast_in_dim3A_12, %transpose3A, %broadcast_in_dim3A_13 : vector<64x2000xi1>, vector<64x2000xf32>
    %reshape3A = vector.shape_cast %select_n3A : vector<64x2000xf32> to vector<64x4x500xf32>
    %swap3A = arith.constant 0 : index
    %swap3A_14 = arith.constant 0 : index
    %swap3A_15 = arith.constant 0 : index
    %swap3A_16 = arith.constant 0 : index
    %swap3A_17 = arith.constant 0 : index
    %swap3A_18 = vector.load %arg4[%swap3A, %swap3A_14, %swap3A_15, %swap3A_16, %swap3A_17] : memref<1x64x1x4x500xf32, #tpu.memory_space<vmem>>, vector<1x64x1x4x500xf32>
    %swap3A_19 = vector.shape_cast %swap3A_18 : vector<1x64x1x4x500xf32> to vector<64x4x500xf32>
    %swap3A_20 = vector.shape_cast %reshape3A : vector<64x4x500xf32> to vector<1x64x1x4x500xf32>
    tpu.vector_store %arg4[%swap3A, %swap3A_14, %swap3A_15, %swap3A_16, %swap3A_17], %swap3A_20 {strides = array<i32>} : memref<1x64x1x4x500xf32, #tpu.memory_space<vmem>>, vector<1x64x1x4x500xf32>,
    return
  }
  func.func @transform_0(%arg0: i32, %arg1: i32) -> (i32, i32, i32) {
    %c0_i32 = arith.constant 0 : i32
    %c0_i32_0 = arith.constant 0 : i32
    return %arg0, %arg1, %c0_i32 : i32, i32, i32
  }
  func.func @transform_1(%arg0: i32, %arg1: i32) -> (i32, i32, i32, i32) {
    %c0_i32 = arith.constant 0 : i32
    %c0_i32_0 = arith.constant 0 : i32
    %c0_i32_1 = arith.constant 0 : i32
    return %arg0, %arg1, %c0_i32, %c0_i32_0 : i32, i32, i32, i32
  }
  func.func @transform_2(%arg0: i32, %arg1: i32) -> (i32, i32, i32, i32, i32) {
    %c0_i32 = arith.constant 0 : i32
    %c0_i32_0 = arith.constant 0 : i32
    %c0_i32_1 = arith.constant 0 : i32
    %c0_i32_2 = arith.constant 0 : i32
    return %arg0, %c0_i32, %arg1, %c0_i32_0, %c0_i32_1 : i32, i32, i32, i32, i32
  }
}

</mosaic_0001>

<sc_bundles>
// kernel: kernel.6.cloned.1.call-start
scs
__scs_entry_jumppad:
0x0: {  	(pc) =	sbr.rel $0x88, $3  }
0x1: {  	(tag) =	ssettag $0x0;
	lr =	simm.s32 $0x1  }
0x2: {  	[smem:$0x3F9C] =	sst lr;
	_ =	strace $0xD0000000  }
0x3: {  	_ = 	snop  }
0x4: {  	_ = 	snop  }
0x5: {  	_ = 	snop  }
0x6: {  	_ = 	snop  }
0x7: {  	_ = 	snop  }
__scs_overlays_trampoline_lowered:
0x8: {  	[smem:$0x3FAB] =	sst s0  }
0x9: {  	[smem:$0x3FAC] =	sst s1  }
0xa: {  	[smem:$0x3FAD] =	sst s2  }
0xb: {  	[smem:$0x3FAE] =	sst s3  }
0xc: {  	[smem:$0x3FAF] =	sst s4  }
0xd: {  	[smem:$0x3FB0] =	sst s5  }
0xe: {  	[smem:$0x3FB1] =	sst s6  }
0xf: {  	[smem:$0x3FB2] =	sst s7  }
0x10: {  	[smem:$0x3FB3] =	sst s8  }
0x11: {  	[smem:$0x3FB4] =	sst s9;
	s0 =	simm.s32 @!p0 $0x0  }
0x12: {  	s1 =	sld [smem:$0x3F9A];
	s0 =	simm.s32 @p0 $0x1  }
0x13: {  	[smem:$0x3FB5] =	sst s0;
	s0 =	simm.s32 @!p1 $0x0  }
0x14: {  	s2 =	sld [smem:$0x3F99];
	s0 =	simm.s32 @p1 $0x1  }
0x15: {  	[smem:$0x3FB6] =	sst s0;
	s0 =	simm.s32 @!p2 $0x0  }
0x16: {  	s3 =	sld [smem:$0x3FDB];
	s0 =	simm.s32 @p2 $0x1  }
0x17: {  	s4 =	simm.s32 $0x1BF5;
	[smem:$0x3FB8] =	sst s0  }
0x18: {  	s0 =	sld [smem:$0x3F9B];
	_ =	swait.ge [sflag:s4], $0x0  }
0x19: {  	s7 =	sld [smem:$0x3F9C]  }
0x1a: {  	s8 =	sadd.s32 $0xFFFFE003, lr  }
0x1b: {  	s9 =	sadd.s32 $0xFFFFFEF7, lr;
	s5 =	simm.s32 $0xFFFFFFFF;
	p2 =	slt.u32 s8, $0xFFFFF086  }
0x1c: {  	p1 =	slt.u32 s9, $0xF7A;
	s5 =	simm.s32 @!p2 $0x0  }
0x1d: {  	s5 =	simm.s32 @p1 $0x1;
	p0 =	seq.s32 s7, s2  }
0x1e: {  	s7 =	smul.u32 @!p0 $0xF7A, s2;
	p2 =	seq.s32 @!p0 s5, $0x0  }
0x1f: {  	s9 =	smul.u32 $0xF7A, s1;
	s8 =	simm.s32 @!p0 $0x1BF5;
	p2 =	por !p2, p0  }
0x20: {  	[sflag:s8] =	ssyncset.s32 @!p0 $0xFFFFF086;
	s6 =	sadd.s32 @!p0 s3, s7;
	s7 =	simm.s32 @!p0 $0x108  }
0x21: {  	s3 =	sadd.s32 s3, s9;
	s6 =	sadd.s32 @!p0 $0x88, s6;
	s7 =	simm.s32 @p2 $0x1082  }
0x22: {  	[simem:s7], [sflag:s8] =	dma.local @!p0 [hbm:s6], $0xF7A  }
0x23: {  	s9 =	sor.u32 $0xD0000000, s2;
	s6 =	simm.s32 $0x108;
	_ =	swait.ge @!p0 [sflag:s8], $0x0  }
0x24: {  	s3 =	sadd.s32 $0x88, s3;
	s6 =	simm.s32 @!p1 $0x1082;
	[sflag:s4] =	ssyncset.s32 $0xFFFFF086  }
0x25: {  	[simem:s6], [sflag:s4] =	dma.local [hbm:s3], $0xF7A  }
0x26: {  	[smem:$0x3F9C] =	sst s1;
	(tag) =	ssettag s2;
	_ =	strace s9  }
0x27: {  	s1 =	sld [smem:$0x3FAC]  }
0x28: {  	s2 =	sld [smem:$0x3FAD]  }
0x29: {  	s4 =	sld [smem:$0x3FAF]  }
0x2a: {  	p0 =	seq.s32 s5, $0x0;
	s5 =	sld [smem:$0x3FB0]  }
0x2b: {  	s6 =	sld [smem:$0x3FB1]  }
0x2c: {  	s7 =	sld [smem:$0x3FB2]  }
0x2d: {  	s3 =	simm.s32 $0x108;
	s8 =	sld [smem:$0x3FB3]  }
0x2e: {  	s3 =	simm.s32 @!p0 $0x1082;
	s9 =	sld [smem:$0x3FB4]  }
0x2f: {  	lr =	sadd.s32 s0, s3;
	s0 =	sld [smem:$0x3FAB]  }
0x30: {  	s3 =	sld [smem:$0x3FAE]  }
0x31: {  	[smem:$0x3FB7] =	sst s10  }
0x32: {  	s10 =	sld [smem:$0x3FB5];
	_ =	sdelay $0x3  }
0x33: {  	p0 =	seq.s32 s10, $0x1;
	s10 =	sld [smem:$0x3FB7];
	_ =	sdelay $0x3  }
0x34: {  	[smem:$0x3FB7] =	sst s10  }
0x35: {  	s10 =	sld [smem:$0x3FB6];
	_ =	sdelay $0x3  }
0x36: {  	p1 =	seq.s32 s10, $0x1;
	s10 =	sld [smem:$0x3FB7];
	_ =	sdelay $0x3  }
0x37: {  	[smem:$0x3FB7] =	sst s10  }
0x38: {  	s10 =	sld [smem:$0x3FB8]  }
0x39: {  	_ = 	snop;
	(pc) =	sbr.ind lr, $3  }
0x3a: {  	_ = 	snop  }
0x3b: {  	_ = 	snop  }
0x3c: {  	p2 =	seq.s32 s10, $0x1;
	s10 =	sld [smem:$0x3FB7]  }
0x3d: {  	_ =	shalt  }
0x3e: {  	_ =	shalt  }
0x3f: {  	_ =	shalt  }
0x40: {  	_ =	shalt  }
0x41: {  	_ =	shalt  }
0x42: {  	_ =	shalt  }
0x43: {  	_ =	shalt  }
0x44: {  	_ =	shalt  }
0x45: {  	_ =	shalt  }
0x46: {  	_ =	shalt  }
0x47: {  	_ =	shalt  }
0x48: {  	_ =	shalt  }
0x49: {  	_ =	shalt  }
0x4a: {  	_ =	shalt  }
0x4b: {  	_ =	shalt  }
0x4c: {  	_ =	shalt  }
0x4d: {  	_ =	shalt  }
0x4e: {  	_ =	shalt  }
0x4f: {  	_ =	shalt  }
0x50: {  	_ =	shalt  }
0x51: {  	_ =	shalt  }
0x52: {  	_ =	shalt  }
0x53: {  	_ =	shalt  }
0x54: {  	_ =	shalt  }
0x55: {  	_ =	shalt  }
0x56: {  	_ =	shalt  }
0x57: {  	_ =	shalt  }
0x58: {  	_ =	shalt  }
0x59: {  	_ =	shalt  }
0x5a: {  	_ =	shalt  }
0x5b: {  	_ =	shalt  }
0x5c: {  	_ =	shalt  }
0x5d: {  	_ =	shalt  }
0x5e: {  	_ =	shalt  }
0x5f: {  	_ =	shalt  }
0x60: {  	_ =	shalt  }
0x61: {  	_ =	shalt  }
0x62: {  	_ =	shalt  }
0x63: {  	_ =	shalt  }
0x64: {  	_ =	shalt  }
0x65: {  	_ =	shalt  }
0x66: {  	_ =	shalt  }
0x67: {  	_ =	shalt  }
0x68: {  	_ =	shalt  }
0x69: {  	_ =	shalt  }
0x6a: {  	_ =	shalt  }
0x6b: {  	_ =	shalt  }
0x6c: {  	_ =	shalt  }
0x6d: {  	_ =	shalt  }
0x6e: {  	_ =	shalt  }
0x6f: {  	_ =	shalt  }
0x70: {  	_ =	shalt  }
0x71: {  	_ =	shalt  }
0x72: {  	_ =	shalt  }
0x73: {  	_ =	shalt  }
0x74: {  	_ =	shalt  }
0x75: {  	_ =	shalt  }
0x76: {  	_ =	shalt  }
0x77: {  	_ =	shalt  }
0x78: {  	_ =	shalt  }
0x79: {  	_ =	shalt  }
0x7a: {  	_ =	shalt  }
0x7b: {  	_ =	shalt  }
0x7c: {  	_ =	shalt  }
0x7d: {  	_ =	shalt  }
0x7e: {  	_ =	shalt  }
0x7f: {  	_ =	shalt  }
0x80: {  	_ =	shalt  }
0x81: {  	_ =	shalt  }
0x82: {  	_ =	shalt  }
0x83: {  	_ =	shalt  }
0x84: {  	_ =	shalt  }
0x85: {  	_ =	shalt  }
0x86: {  	_ =	shalt  }
0x87: {  	_ =	shalt  }
.Lfunc_end0:
.L_simem_size_0:
called_computation.1_lowered:
.L_overlay_start_0:
0x88: {  	s2 =	sld [smem:$0x3FD9]  }
0x89: {  	s3 =	sld [smem:$0x3FFE];
	_ =	sdelay $0x1  }
0x8a: {  	s1 =	srdreg.scid  }
0x8b: {  	s0 =	sand.u32 $0x1, s1  }
0x8c: {  	s17 =	sshll.u32 s0, $0xA;
	s2 =	sadd.s32 s3, s2  }
0x8d: {  	s2 =	sadd.s32 s2, s17  }
0x8e: {  	[smem:$0x3FC3] =	sst s2  }
0x8f: {  	_ = 	snop  }
0x90: {  	s2 =	sld [smem:$0x3FD0];
	(tm) =	ssettm $0x1  }
0x91: {  	s18 =	sld [smem:$0x3FFB];
	_ =	sdelay $0x3  }
0x92: {  	_ =	strace s18  }
0x93: {  	s3 =	sld [smem:$0x3FFC];
	_ =	sdelay $0x3  }
0x94: {  	_ =	strace s3  }
0x95: {  	s3 =	sld [smem:$0x3FFD];
	_ =	sdelay $0x3  }
0x96: {  	_ =	strace s3  }
0x97: {  	_ =	strace $0x8FFFFFFF  }
0x98: {  	s19 =	sld [smem:$0x3FDB];
	_ =	sdelay $0x1  }
0x99: {  	s4 =	simm.s32 $_scs_section_size  }
0x9a: {  	s5 =	simm.s32 $_size__tile_overlayer_lowered;
	s6 =	simm.s32 $_tile_overlayer_lowered  }
0x9b: {  	s22 =	simm.s32 $0x1BFF;
	s21 =	sshll.u32 s6, $0x1;
	s3 =	sadd.s32 s4, s19  }
0x9c: {  	s7 =	simm.s32 $0x0;
	s20 =	sshll.u32 s5, $0x1;
	s5 =	sadd.s32 s21, s3  }
0x9d: {  	[timem:s7], [sflag:s22] =	dma.local [hbm:s5], s20  }
0x9e: {  	_ =	swait.ge [sflag:s22], s20  }
0x9f: {  	s4 =	ssub.s32 $0x0, s20;
	[sflag:s22] =	ssyncset.done $0x0  }
0xa0: {  	[sflag:s22] =	ssyncadd.s32 s4;
	_ =	sdelay $0x1  }
0xa1: {  	s23 =	simm.s32 $0x1B8B  }
0xa2: {  	_ =	swait.ge [sflag:s23], $0x1  }
0xa3: {  	[sflag:s23] =	ssyncset.done $0x0  }
0xa4: {  	s25 =	simm.s32 $0x1B8E;
	s24 =	sld [smem:$0x3FFE];
	[sflag:s23] =	ssyncadd.s32 $0xFFFFFFFF  }
0xa5: {  	s26 =	simm.s32 $execute0_lowered;
	[smem:$0x3FD2] =	sst s25  }
0xa6: {  	s5 =	sshll.u32 s26, $0x1;
	_ =	strace $0x80000049;
	[dreg:$0x1] =	wrdreg $0xFFFFFFFF  }
0xa7: {  	s28 =	simm.s32 $_size_execute0_lowered;
	s3 =	sadd.s32 s3, s5;
	[dreg:$0x0] =	wrdreg $0x0  }
0xa8: {  	s5 =	sshll.u32 s28, $0x1;
	[dreg:$0x2] =	wrdreg s3  }
0xa9: {  	[dreg:$0x3] =	wrdreg s5  }
0xaa: {  	[dreg:$0x4] =	wrdreg $0xC0  }
0xab: {  	_ =	task [dreg:s7], $0x5FFFF  }
0xac: {  	[dreg:$0x1] =	wrdreg $0xFFFFFFFF  }
0xad: {  	[dreg:$0x0] =	wrdreg $0x60  }
0xae: {  	[dreg:$0x2] =	wrdreg s2  }
0xaf: {  	[dreg:$0x3] =	wrdreg s24  }
0xb0: {  	[dreg:$0x4] =	wrdreg $0x142800  }
0xb1: {  	[dreg:$0x5] =	wrdreg $0x9  }
0xb2: {  	_ =	task.clear_ibuf [dreg:s7], $0x6FFFF;
	_ =	strace $0x90000049  }
0xb3: {  	s29 =	simm.s32 $0x9;
	_ =	strace $0x8000004B  }
0xb4: {  	_ =	swait.ge [sflag:s29], $0x1  }
0xb5: {  	[sflag:s29] =	ssyncadd.s32 $0xFFFFFFFF  }
0xb6: {  	_ =	strace $0x9000004B  }
0xb7: {  	_ =	sfence  }
0xb8: {  	s30 =	sld [smem:$0x0];
	_ =	sdelay $0x2  }
0xb9: {  	s31 =	sshll.u32 s1, $0xD;
	s1 =	sshrl.u32 s1, $0x2  }
0xba: {  	s3 =	sand.u32 $0x4000, s31;
	s1 =	sadd.s32 s1, s30  }
0xbb: {  	s0 =	sor.u32 s3, s0;
	s1 =	sshll.u32 s1, $0x11  }
0xbc: {  	s0 =	sor.u32 s1, s0  }
0xbd: {  	s0 =	sadd.s32 $0x8F2B, s0  }
0xbe: {  	[sflag:s0] =	ssyncadd.remote.s32 $0x1  }
0xbf: {  	_ =	sfence.sel $0xFFFF  }
0xc0: {  	[dreg:$0x0] =	wrdreg $0xFFFFFFFF;
	(pc) =	sbr.abs _section_cstart, $3  }
0xc1: {  	[dreg:$0x1] =	wrdreg $0xFFFFFFFF  }
0xc2: {  	_ =	task.clear_ibuf [dreg:s7], $0x2FFFF;
	_ =	strace $0x9FFFFFFF  }
0xc3: {  	(tm) =	ssettm $0x7FFFFFFF  }
tec
execute0_lowered:
.L_overlay_start_1:
0x0: {  	(tag) =	ssettag $0x1  }
0x1: {  	s6 =	rddreg [dreg:$0x0]  }
0x2: {  	s0 =	rddreg [dreg:$0x1]  }
0x3: {  	s2 =	rddreg [dreg:$0x2];
	s3 =	simm.s32 $0x0  }
0x4: {  	[smem:$0x7FF] =	sst s3;
	s4 =	sadd.s32 $0x1E00, s0  }
0x5: {  	s18 =	sadd.s32 $0x1000, s0;
	_ =	strace $0x8000004A;
	[dreg:$0x4] =	wrdreg s4  }
0x6: {  	s1 =	srdreg.scid;
	s11 =	sadd.s32 $0x3C00, s0;
	[dreg:$0x5] =	wrdreg s18  }
0x7: {  	s10 =	stileid.u32;
	s21 =	sadd.s32 $0x2480, s0;
	[dreg:$0x6] =	wrdreg s11  }
0x8: {  	s28 =	simm.s32 $0xA400;
	s22 =	sadd.s32 $0x1680, s0;
	[dreg:$0x7] =	wrdreg s21  }
0x9: {  	s29 =	simm.s32 $0x78;
	s23 =	sadd.s32 $0xB612, s0;
	[dreg:$0x8] =	wrdreg s22  }
0xa: {  	s30 =	simm.s32 $0x2;
	s24 =	sadd.s32 $0xC247, s0;
	[dreg:$0x9] =	wrdreg s23  }
0xb: {  	s31 =	simm.s32 $0x0;
	s25 =	sadd.s32 $0xCE7C, s0;
	[dreg:$0xa] =	wrdreg s24  }
0xc: {  	s1 =	sand.u32 $0x1, s1;
	s26 =	sadd.s32 $0xDAB1, s0;
	[dreg:$0xb] =	wrdreg s25  }
0xd: {  	s20 =	sshll.u32 s10, $0x1;
	s10 =	sadd.s32 $0xF31B, s0;
	[dreg:$0xc] =	wrdreg s26  }
0xe: {  	s7 =	sadd.s32 $0x3A00, s0;
	s12 =	sadd.s32 $0x10B85, s0;
	[dreg:$0xe] =	wrdreg s10  }
0xf: {  	s8 =	sadd.s32 $0x2C00, s0;
	s14 =	sadd.s32 $0x117BA, s0;
	[dreg:$0x10] =	wrdreg s12  }
0x10: {  	s9 =	sadd.s32 $0x13200, s0;
	s15 =	sadd.s32 $0x123EF, s0;
	[dreg:$0x11] =	wrdreg s14  }
0x11: {  	s16 =	sadd.s32 $0x4835, s0;
	s17 =	sadd.s32 $0x546A, s0;
	[dreg:$0x12] =	wrdreg s15  }
0x12: {  	s19 =	ssub.s32 $0x2, s1;
	s1 =	sor.u32 s1, s20;
	[dreg:$0x13] =	wrdreg s16  }
0x13: {  	s11 =	sadd.s32 $0xFF50, s0;
	[dreg:$0x14] =	wrdreg s17;
	s18 =	sadd.s32 $0x609F, s0  }
0x14: {  	s20 =	sadd.s32 $0x7909, s0;
	s21 =	sadd.s32 $0x853E, s0;
	[dreg:$0xf] =	wrdreg s11  }
0x15: {  	s22 =	sadd.s32 $0x9173, s0;
	s23 =	sadd.s32 $0x9DA8, s0;
	[dreg:$0x15] =	wrdreg s18  }
0x16: {  	s24 =	sadd.s32 $0x2EE00, s6;
	s10 =	sadd.s32 $0x124F8, s2;
	[dreg:$0x17] =	wrdreg s20  }
0x17: {  	s12 =	sadd.s32 $0x1E848, s2;
	s14 =	sadd.s32 $0x249F0, s2;
	[dreg:$0x18] =	wrdreg s21  }
0x18: {  	s15 =	sadd.s32 $0x2AB98, s2;
	s16 =	sadd.s32 $0x30D40, s2;
	[dreg:$0x19] =	wrdreg s22  }
0x19: {  	s17 =	sadd.s32 $0x36EE8, s2;
	s25 =	sadd.s32 $0x5D480, s6;
	[dreg:$0x1a] =	wrdreg s23  }
0x1a: {  	s26 =	sadd.s32 $0x2E680, s6;
	s5 =	sshrl.u32 s19, $0x1;
	[dreg:$0x1c] =	wrdreg s24  }
0x1b: {  	p0 =	seq.s32 s1, $0x1;
	p1 =	sne.s32 s1, $0x0;
	[dreg:$0x1d] =	wrdreg s25  }
0x1c: {  	s11 =	sadd.s32 $0x186A0, s2;
	[dreg:$0x1e] =	wrdreg s26;
	s20 =	sadd.s32 $0x2F580, s6  }
0x1d: {  	s21 =	sadd.s32 $0x780, s6;
	s22 =	simm.s32 $0xE080;
	s24 =	simm.s32 $0x4  }
.Ltmp0:
0x1e: {  	s25 =	simm.s32 $0xE000;
	s26 =	simm.s32 $0x6800;
	(pc) =	sbr.rel .LBB2_1-.Ltmp0, $4  }
0x1f: {  	s23 =	simm.s32 $0x1;
	s4 =	ssub.s32 s19, s5;
	s5 =	sadd.s32 $0xE6E6, s0  }
0x20: {  	s1 =	simm.s32 $0x3;
	s19 =	sadd.s32 $0x6CD4, s0;
	[dreg:$0xd] =	wrdreg s5  }
0x21: {  	s0 =	sadd.s32 $0xA9DD, s0;
	s13 =	smax.u32 s4, $0x1;
	[dreg:$0x16] =	wrdreg s19  }
0x22: {  	[dreg:$0x1b] =	wrdreg s0;
	s4 =	sadd.s32 $0x61A8, s2;
	s5 =	sadd.s32 $0xC350, s2  }
.LBB2_13:
0x23: {  	_ =	swait.ge [sflag:s24], $0x61A8  }
0x24: {  	[sflag:s24] =	ssyncset.done $0x0  }
0x25: {  	[sflag:s24] =	ssyncadd.s32 $0xFFFF9E58  }
0x26: {  	[hbm4b:s0+s3] =	stream.linear.scatter [tilespmem:s22], [sflag:$0x4], $0x61A8, $0x38;
	[tilespmem:$0x17F90] =	vst v63  }
0x27: {  	_ =	swait.ge [sflag:s24], $0x61A8  }
0x28: {  	[sflag:s24] =	ssyncset.done $0x0  }
0x29: {  	[sflag:s24] =	ssyncadd.s32 $0xFFFF9E58  }
.LBB2_14:
0x2a: {  	s31 =	sadd.s32 $0x1, s31  }
0x2b: {  	p2 =	sne.s32 s31, s13  }
.Ltmp1:
0x2c: {  	_ = 	snop;
	(pc) =	sbr.rel @!p2 .LBB2_15-.Ltmp1, $1  }
0x2d: {  	_ =	sdelay $0x3  }
.LBB2_1:
.Ltmp2:
0x2e: {  	(pc) =	sbr.rel @p0 .LBB2_8-.Ltmp2, $1  }
0x2f: {  	_ =	sdelay $0x3  }
.Ltmp3:
0x30: {  	(pc) =	sbr.rel @p1 .LBB2_14-.Ltmp3, $1  }
0x31: {  	_ =	sdelay $0x3  }
0x32: {  	s0 =	simm.s32 $0x0  }
0x33: {  	[tilespmem:s22], [sflag:$0x4] =	stream.linear.gather [hbm4b:s8+s0], $0x6200, $0x38;
	[tilespmem:$0x17F90] =	vst v63  }
0x34: {  	_ =	swait.ge [sflag:s24], $0x6200  }
0x35: {  	[sflag:s24] =	ssyncset.done $0x0  }
0x36: {  	[sflag:s24] =	ssyncadd.s32 $0xFFFF9E00  }
0x37: {  	[spmem:s2] =	stream.linear.scatter [tilespmem:s22], [sflag:$0x4], $0x61A8, $0x38;
	[tilespmem:$0x17F90] =	vst v63  }
0x38: {  	_ =	swait.ge [sflag:s24], $0x61A8  }
0x39: {  	[sflag:s24] =	ssyncset.done $0x0  }
0x3a: {  	[sflag:s24] =	ssyncadd.s32 $0xFFFF9E58  }
0x3b: {  	[spmem:s4] =	stream.linear.scatter [tilespmem:s22], [sflag:$0x4], $0x61A8, $0x38;
	[tilespmem:$0x17F90] =	vst v63  }
0x3c: {  	_ =	swait.ge [sflag:s24], $0x61A8  }
0x3d: {  	[sflag:s24] =	ssyncset.done $0x0  }
0x3e: {  	[sflag:s24] =	ssyncadd.s32 $0xFFFF9E58  }
0x3f: {  	[spmem:s5] =	stream.linear.scatter [tilespmem:s22], [sflag:$0x4], $0x61A8, $0x38;
	[tilespmem:$0x17F90] =	vst v63  }
0x40: {  	_ =	swait.ge [sflag:s24], $0x61A8  }
0x41: {  	[sflag:s24] =	ssyncset.done $0x0  }
0x42: {  	[sflag:s24] =	ssyncadd.s32 $0xFFFF9E58  }
0x43: {  	[spmem:s10] =	stream.linear.scatter [tilespmem:s22], [sflag:$0x4], $0x61A8, $0x38;
	[tilespmem:$0x17F90] =	vst v63  }
0x44: {  	_ =	swait.ge [sflag:s24], $0x61A8  }
0x45: {  	[sflag:s24] =	ssyncset.done $0x0  }
0x46: {  	[sflag:s24] =	ssyncadd.s32 $0xFFFF9E58  }
0x47: {  	[spmem:s11] =	stream.linear.scatter [tilespmem:s22], [sflag:$0x4], $0x61A8, $0x38;
	[tilespmem:$0x17F90] =	vst v63  }
0x48: {  	_ =	swait.ge [sflag:s24], $0x61A8  }
0x49: {  	[sflag:s24] =	ssyncset.done $0x0  }
0x4a: {  	[sflag:s24] =	ssyncadd.s32 $0xFFFF9E58  }
0x4b: {  	[spmem:s12] =	stream.linear.scatter [tilespmem:s22], [sflag:$0x4], $0x61A8, $0x38;
	[tilespmem:$0x17F90] =	vst v63  }
0x4c: {  	_ =	swait.ge [sflag:s24], $0x61A8  }
0x4d: {  	[sflag:s24] =	ssyncset.done $0x0  }
0x4e: {  	[sflag:s24] =	ssyncadd.s32 $0xFFFF9E58  }
0x4f: {  	[spmem:s14] =	stream.linear.scatter [tilespmem:s22], [sflag:$0x4], $0x61A8, $0x38;
	[tilespmem:$0x17F90] =	vst v63  }
0x50: {  	_ =	swait.ge [sflag:s24], $0x61A8  }
0x51: {  	[sflag:s24] =	ssyncset.done $0x0  }
0x52: {  	[sflag:s24] =	ssyncadd.s32 $0xFFFF9E58  }
0x53: {  	[spmem:s15] =	stream.linear.scatter [tilespmem:s22], [sflag:$0x4], $0x61A8, $0x38;
	[tilespmem:$0x17F90] =	vst v63  }
0x54: {  	_ =	swait.ge [sflag:s24], $0x61A8  }
0x55: {  	[sflag:s24] =	ssyncset.done $0x0  }
0x56: {  	[sflag:s24] =	ssyncadd.s32 $0xFFFF9E58  }
0x57: {  	[spmem:s16] =	stream.linear.scatter [tilespmem:s22], [sflag:$0x4], $0x61A8, $0x38;
	[tilespmem:$0x17F90] =	vst v63  }
0x58: {  	_ =	swait.ge [sflag:s24], $0x61A8  }
0x59: {  	[sflag:s24] =	ssyncset.done $0x0  }
0x5a: {  	[sflag:s24] =	ssyncadd.s32 $0xFFFF9E58  }
0x5b: {  	[spmem:s17] =	stream.linear.scatter [tilespmem:s22], [sflag:$0x4], $0x61A8, $0x38;
	[tilespmem:$0x17F90] =	vst v63  }
0x5c: {  	_ =	swait.ge [sflag:s24], $0x61A8  }
0x5d: {  	[sflag:s24] =	ssyncset.done $0x0  }
0x5e: {  	[sflag:s24] =	ssyncadd.s32 $0xFFFF9E58  }
0x5f: {  	[tilespmem:s25], [sflag:$0x4] =	stream.linear.gather [hbm4b:s7+s0], $0x80, $0x38;
	[tilespmem:$0x17F90] =	vst v63  }
0x60: {  	_ =	swait.ge [sflag:s24], $0x80  }
0x61: {  	[sflag:s24] =	ssyncset.done $0x0  }
0x62: {  	s6 =	rddreg [dreg:$0x4];
	[sflag:s24] =	ssyncadd.s32 $0xFFFFFF80  }
0x63: {  	[tilespmem:s0], [sflag:$0x4] =	stream.linear.gather [hbm4b:s6+s0], $0x3200, $0x38;
	[tilespmem:$0x17F90] =	vst v63  }
0x64: {  	_ =	swait.ge [sflag:s24], $0x3200  }
0x65: {  	[sflag:s24] =	ssyncset.done $0x0  }
0x66: {  	s18 =	simm.s32 $0x3400;
	s19 =	rddreg [dreg:$0x5];
	[sflag:s24] =	ssyncadd.s32 $0xFFFFCE00  }
0x67: {  	[tilespmem:s18], [sflag:$0x4] =	stream.linear.gather [hbm4b:s19+s0], $0x3200, $0x38;
	[tilespmem:$0x17F90] =	vst v63  }
0x68: {  	_ =	swait.ge [sflag:s24], $0x3200  }
0x69: {  	[sflag:s24] =	ssyncset.done $0x0  }
0x6a: {  	[sflag:s24] =	ssyncadd.s32 $0xFFFFCE00  }
0x6b: {  	s18 =	rddreg [dreg:$0x0]  }
0x6c: {  	[tilespmem:s26], [sflag:$0x1] =	stream.linear.gather [hbm4b:s18+s0], $0x3C00, $0x38;
	[tilespmem:$0x17F90] =	vst v63  }
0x6d: {  	_ =	swait.ge [sflag:s23], $0x3C00  }
0x6e: {  	[sflag:s23] =	ssyncset.done $0x0  }
0x6f: {  	[sflag:s23] =	ssyncadd.s32 $0xFFFFC400  }
0x70: {  	[tilespmem:s28], [sflag:$0x2] =	stream.linear.gather [hbm4b:s21+s3], $0x3C00, $0x38;
	[tilespmem:$0x17F90] =	vst v63  }
0x71: {  	s19 =	simm.s32 $0x0  }
0x72: {  	[hbm4b:s9+s29] =	stream.indirect.scatter [tilespmem:s26], [sflag:$0x4], $0x80, s19, s29, $0xb8;
	[tilespmem:$0x17F90] =	vst v63  }
0x73: {  	_ =	swait.ge [sflag:s24], $0x3C00  }
0x74: {  	[sflag:s24] =	ssyncset.done $0x0  }
0x75: {  	s6 =	simm.s32 $0x3400;
	[sflag:s24] =	ssyncadd.s32 $0xFFFFC400  }
0x76: {  	[spmem:s2] =	stream.indirect.scatter.add.s32 [tilespmem:s25], [sflag:$0x3], $0x1, s6, s29, $0xb8;
	[tilespmem:$0x17F90] =	vst v63  }
0x77: {  	_ =	swait.ge [sflag:s30], $0x3C00  }
0x78: {  	[sflag:s30] =	ssyncset.done $0x0  }
0x79: {  	s18 =	sadd.s32 $0x780, s21;
	[sflag:s30] =	ssyncadd.s32 $0xFFFFC400  }
0x7a: {  	[tilespmem:s26], [sflag:$0x1] =	stream.linear.gather [hbm4b:s18+s3], $0x3C00, $0x38;
	[tilespmem:$0x17F90] =	vst v63  }
0x7b: {  	s19 =	simm.s32 $0x80  }
0x7c: {  	[hbm4b:s9+s29] =	stream.indirect.scatter [tilespmem:s28], [sflag:$0x4], $0x80, s19, s29, $0xb8;
	[tilespmem:$0x17F90] =	vst v63  }
0x7d: {  	_ =	swait.ge [sflag:s24], $0x3C00  }
0x7e: {  	s0 =	simm.s32 $0x400;
	[sflag:s24] =	ssyncset.done $0x0  }
0x7f: {  	s6 =	sadd.s32 $0xF00, s21;
	s18 =	simm.s32 $0x3480;
	[sflag:s24] =	ssyncadd.s32 $0xFFFFC400  }
.LBB2_4:
0x80: {  	[spmem:s2] =	stream.indirect.scatter.add.s32 [tilespmem:s25], [sflag:$0x3], $0x1, s18, s29, $0xb8;
	[tilespmem:$0x17F90] =	vst v63  }
0x81: {  	s18 =	smov.u32 s0  }
0x82: {  	p2 =	sne.s32 s0, $0xC000;
	s0 =	sadd.s32 $0x400, s0;
	_ =	swait.ge [sflag:s23], $0x3C00  }
0x83: {  	[sflag:s23] =	ssyncset.done $0x0  }
0x84: {  	[sflag:s23] =	ssyncadd.s32 $0xFFFFC400  }
0x85: {  	[tilespmem:s28], [sflag:$0x2] =	stream.linear.gather [hbm4b:s6+s3], $0x3C00, $0x38;
	[tilespmem:$0x17F90] =	vst v63  }
0x86: {  	s18 =	sshra.s32 s18, $0x2  }
0x87: {  	[hbm4b:s9+s29] =	stream.indirect.scatter [tilespmem:s26], [sflag:$0x4], $0x80, s18, s29, $0xb8;
	[tilespmem:$0x17F90] =	vst v63  }
0x88: {  	_ =	swait.ge [sflag:s24], $0x3C00  }
0x89: {  	[sflag:s24] =	ssyncset.done $0x0  }
0x8a: {  	s19 =	sadd.s32 $0x3400, s18;
	[sflag:s24] =	ssyncadd.s32 $0xFFFFC400  }
0x8b: {  	[spmem:s2] =	stream.indirect.scatter.add.s32 [tilespmem:s25], [sflag:$0x3], $0x1, s19, s29, $0xb8;
	[tilespmem:$0x17F90] =	vst v63  }
0x8c: {  	_ =	swait.ge [sflag:s30], $0x3C00  }
0x8d: {  	[sflag:s30] =	ssyncset.done $0x0  }
0x8e: {  	s19 =	sadd.s32 $0x780, s6;
	[sflag:s30] =	ssyncadd.s32 $0xFFFFC400  }
0x8f: {  	[tilespmem:s26], [sflag:$0x1] =	stream.linear.gather [hbm4b:s19+s3], $0x3C00, $0x38;
	[tilespmem:$0x17F90] =	vst v63  }
.Ltmp4:
0x90: {  	s19 =	sadd.s32 $0x80, s18;
	(pc) =	sbr.rel @p2 .LBB2_4-.Ltmp4, $4  }
0x91: {  	[hbm4b:s9+s29] =	stream.indirect.scatter [tilespmem:s28], [sflag:$0x4], $0x80, s19, s29, $0xb8;
	[tilespmem:$0x17F90] =	vst v63  }
0x92: {  	_ =	swait.ge [sflag:s24], $0x3C00  }
0x93: {  	[sflag:s24] =	ssyncset.done $0x0  }
0x94: {  	s6 =	sadd.s32 $0xF00, s6;
	s18 =	sadd.s32 $0x3480, s18;
	[sflag:s24] =	ssyncadd.s32 $0xFFFFC400  }
0x95: {  	[spmem:s2] =	stream.indirect.scatter.add.s32 [tilespmem:s25], [sflag:$0x3], $0x1, s18, s29, $0xb8;
	[tilespmem:$0x17F90] =	vst v63  }
0x96: {  	_ =	swait.ge [sflag:s23], $0x3C00  }
0x97: {  	[sflag:s23] =	ssyncset.done $0x0  }
0x98: {  	s0 =	rddreg [dreg:$0x1e];
	[sflag:s23] =	ssyncadd.s32 $0xFFFFC400  }
0x99: {  	[tilespmem:s28], [sflag:$0x2] =	stream.linear.gather [hbm4b:s0+s3], $0x3C00, $0x38;
	[tilespmem:$0x17F90] =	vst v63  }
0x9a: {  	s19 =	simm.s32 $0x3100  }
0x9b: {  	[hbm4b:s9+s29] =	stream.indirect.scatter [tilespmem:s26], [sflag:$0x4], $0x80, s19, s29, $0xb8;
	[tilespmem:$0x17F90] =	vst v63  }
0x9c: {  	_ =	swait.ge [sflag:s24], $0x3C00  }
0x9d: {  	[sflag:s24] =	ssyncset.done $0x0  }
0x9e: {  	s6 =	simm.s32 $0x6500;
	[sflag:s24] =	ssyncadd.s32 $0xFFFFC400  }
0x9f: {  	[spmem:s2] =	stream.indirect.scatter.add.s32 [tilespmem:s25], [sflag:$0x3], $0x1, s6, s29, $0xb8;
	[tilespmem:$0x17F90] =	vst v63  }
0xa0: {  	_ =	swait.ge [sflag:s30], $0x3C00  }
0xa1: {  	[sflag:s30] =	ssyncset.done $0x0  }
0xa2: {  	s18 =	simm.s32 $0x3180;
	[sflag:s30] =	ssyncadd.s32 $0xFFFFC400  }
0xa3: {  	[hbm4b:s9+s29] =	stream.indirect.scatter [tilespmem:s28], [sflag:$0x4], $0x80, s18, s29, $0xb8;
	[tilespmem:$0x17F90] =	vst v63  }
0xa4: {  	_ =	swait.ge [sflag:s24], $0x3C00  }
0xa5: {  	[sflag:s24] =	ssyncset.done $0x0  }
0xa6: {  	s19 =	simm.s32 $0x6580;
	[sflag:s24] =	ssyncadd.s32 $0xFFFFC400  }
0xa7: {  	[spmem:s2] =	stream.indirect.scatter.add.s32 [tilespmem:s25], [sflag:$0x3], $0x1, s19, s29, $0xb8;
	[tilespmem:$0x17F90] =	vst v63  }
0xa8: {  	_ =	swait.ge [sflag:s1], $0x78  }
0xa9: {  	s0 =	simm.s32 $0x63;
	[sflag:s1] =	ssyncset.done $0x0  }
.LBB2_6:
0xaa: {  	p2 =	sne.s32 s0, $0x1;
	s0 =	sadd.s32 $0xFFFFFFFF, s0;
	[sflag:s1] =	ssyncadd.s32 $0xFFFFFF88  }
.Ltmp5:
0xab: {  	(pc) =	sbr.rel @p2 .LBB2_6-.Ltmp5, $3  }
0xac: {  	_ =	sdelay $0x1  }
0xad: {  	_ =	swait.ge [sflag:s1], $0x78  }
0xae: {  	[sflag:s1] =	ssyncset.done $0x0  }
0xaf: {  	[sflag:s1] =	ssyncadd.s32 $0xFFFFFF88  }
0xb0: {  	[tilespmem:s22], [sflag:$0x4] =	stream.linear.gather [spmem:s2], $0x61A8, $0x38;
	[tilespmem:$0x17F90] =	vst v63  }
0xb1: {  	_ =	swait.ge [sflag:s24], $0x61A8  }
0xb2: {  	[sflag:s24] =	ssyncset.done $0x0  }
0xb3: {  	s0 =	rddreg [dreg:$0x6];
	[sflag:s24] =	ssyncadd.s32 $0xFFFF9E58  }
0xb4: {  	[hbm4b:s0+s3] =	stream.linear.scatter [tilespmem:s22], [sflag:$0x4], $0x61A8, $0x38;
	[tilespmem:$0x17F90] =	vst v63  }
0xb5: {  	_ =	swait.ge [sflag:s24], $0x61A8  }
0xb6: {  	[sflag:s24] =	ssyncset.done $0x0  }
0xb7: {  	[sflag:s24] =	ssyncadd.s32 $0xFFFF9E58  }
0xb8: {  	[tilespmem:s22], [sflag:$0x4] =	stream.linear.gather [spmem:s4], $0x61A8, $0x38;
	[tilespmem:$0x17F90] =	vst v63  }
0xb9: {  	_ =	swait.ge [sflag:s24], $0x61A8  }
0xba: {  	[sflag:s24] =	ssyncset.done $0x0  }
0xbb: {  	s18 =	rddreg [dreg:$0x13];
	[sflag:s24] =	ssyncadd.s32 $0xFFFF9E58  }
0xbc: {  	[hbm4b:s18+s3] =	stream.linear.scatter [tilespmem:s22], [sflag:$0x4], $0x61A8, $0x38;
	[tilespmem:$0x17F90] =	vst v63  }
0xbd: {  	_ =	swait.ge [sflag:s24], $0x61A8  }
0xbe: {  	[sflag:s24] =	ssyncset.done $0x0  }
0xbf: {  	[sflag:s24] =	ssyncadd.s32 $0xFFFF9E58  }
0xc0: {  	[tilespmem:s22], [sflag:$0x4] =	stream.linear.gather [spmem:s5], $0x61A8, $0x38;
	[tilespmem:$0x17F90] =	vst v63  }
0xc1: {  	_ =	swait.ge [sflag:s24], $0x61A8  }
0xc2: {  	[sflag:s24] =	ssyncset.done $0x0  }
0xc3: {  	s19 =	rddreg [dreg:$0x14];
	[sflag:s24] =	ssyncadd.s32 $0xFFFF9E58  }
0xc4: {  	[hbm4b:s19+s3] =	stream.linear.scatter [tilespmem:s22], [sflag:$0x4], $0x61A8, $0x38;
	[tilespmem:$0x17F90] =	vst v63  }
0xc5: {  	_ =	swait.ge [sflag:s24], $0x61A8  }
0xc6: {  	[sflag:s24] =	ssyncset.done $0x0  }
0xc7: {  	[sflag:s24] =	ssyncadd.s32 $0xFFFF9E58  }
0xc8: {  	[tilespmem:s22], [sflag:$0x4] =	stream.linear.gather [spmem:s10], $0x61A8, $0x38;
	[tilespmem:$0x17F90] =	vst v63  }
0xc9: {  	_ =	swait.ge [sflag:s24], $0x61A8  }
0xca: {  	[sflag:s24] =	ssyncset.done $0x0  }
0xcb: {  	s6 =	rddreg [dreg:$0x15];
	[sflag:s24] =	ssyncadd.s32 $0xFFFF9E58  }
0xcc: {  	[hbm4b:s6+s3] =	stream.linear.scatter [tilespmem:s22], [sflag:$0x4], $0x61A8, $0x38;
	[tilespmem:$0x17F90] =	vst v63  }
0xcd: {  	_ =	swait.ge [sflag:s24], $0x61A8  }
0xce: {  	[sflag:s24] =	ssyncset.done $0x0  }
0xcf: {  	[sflag:s24] =	ssyncadd.s32 $0xFFFF9E58  }
0xd0: {  	[tilespmem:s22], [sflag:$0x4] =	stream.linear.gather [spmem:s11], $0x61A8, $0x38;
	[tilespmem:$0x17F90] =	vst v63  }
0xd1: {  	_ =	swait.ge [sflag:s24], $0x61A8  }
0xd2: {  	[sflag:s24] =	ssyncset.done $0x0  }
0xd3: {  	s18 =	rddreg [dreg:$0x16];
	[sflag:s24] =	ssyncadd.s32 $0xFFFF9E58  }
0xd4: {  	[hbm4b:s18+s3] =	stream.linear.scatter [tilespmem:s22], [sflag:$0x4], $0x61A8, $0x38;
	[tilespmem:$0x17F90] =	vst v63  }
0xd5: {  	_ =	swait.ge [sflag:s24], $0x61A8  }
0xd6: {  	[sflag:s24] =	ssyncset.done $0x0  }
0xd7: {  	[sflag:s24] =	ssyncadd.s32 $0xFFFF9E58  }
0xd8: {  	[tilespmem:s22], [sflag:$0x4] =	stream.linear.gather [spmem:s12], $0x61A8, $0x38;
	[tilespmem:$0x17F90] =	vst v63  }
0xd9: {  	_ =	swait.ge [sflag:s24], $0x61A8  }
0xda: {  	[sflag:s24] =	ssyncset.done $0x0  }
0xdb: {  	s19 =	rddreg [dreg:$0x17];
	[sflag:s24] =	ssyncadd.s32 $0xFFFF9E58  }
0xdc: {  	[hbm4b:s19+s3] =	stream.linear.scatter [tilespmem:s22], [sflag:$0x4], $0x61A8, $0x38;
	[tilespmem:$0x17F90] =	vst v63  }
0xdd: {  	_ =	swait.ge [sflag:s24], $0x61A8  }
0xde: {  	[sflag:s24] =	ssyncset.done $0x0  }
0xdf: {  	[sflag:s24] =	ssyncadd.s32 $0xFFFF9E58  }
0xe0: {  	[tilespmem:s22], [sflag:$0x4] =	stream.linear.gather [spmem:s14], $0x61A8, $0x38;
	[tilespmem:$0x17F90] =	vst v63  }
0xe1: {  	_ =	swait.ge [sflag:s24], $0x61A8  }
0xe2: {  	[sflag:s24] =	ssyncset.done $0x0  }
0xe3: {  	s6 =	rddreg [dreg:$0x18];
	[sflag:s24] =	ssyncadd.s32 $0xFFFF9E58  }
0xe4: {  	[hbm4b:s6+s3] =	stream.linear.scatter [tilespmem:s22], [sflag:$0x4], $0x61A8, $0x38;
	[tilespmem:$0x17F90] =	vst v63  }
0xe5: {  	_ =	swait.ge [sflag:s24], $0x61A8  }
0xe6: {  	[sflag:s24] =	ssyncset.done $0x0  }
0xe7: {  	[sflag:s24] =	ssyncadd.s32 $0xFFFF9E58  }
0xe8: {  	[tilespmem:s22], [sflag:$0x4] =	stream.linear.gather [spmem:s15], $0x61A8, $0x38;
	[tilespmem:$0x17F90] =	vst v63  }
0xe9: {  	_ =	swait.ge [sflag:s24], $0x61A8  }
0xea: {  	[sflag:s24] =	ssyncset.done $0x0  }
0xeb: {  	s18 =	rddreg [dreg:$0x19];
	[sflag:s24] =	ssyncadd.s32 $0xFFFF9E58  }
0xec: {  	[hbm4b:s18+s3] =	stream.linear.scatter [tilespmem:s22], [sflag:$0x4], $0x61A8, $0x38;
	[tilespmem:$0x17F90] =	vst v63  }
0xed: {  	_ =	swait.ge [sflag:s24], $0x61A8  }
0xee: {  	[sflag:s24] =	ssyncset.done $0x0  }
0xef: {  	[sflag:s24] =	ssyncadd.s32 $0xFFFF9E58  }
0xf0: {  	[tilespmem:s22], [sflag:$0x4] =	stream.linear.gather [spmem:s16], $0x61A8, $0x38;
	[tilespmem:$0x17F90] =	vst v63  }
0xf1: {  	_ =	swait.ge [sflag:s24], $0x61A8  }
0xf2: {  	[sflag:s24] =	ssyncset.done $0x0  }
0xf3: {  	s19 =	rddreg [dreg:$0x1a];
	[sflag:s24] =	ssyncadd.s32 $0xFFFF9E58  }
0xf4: {  	[hbm4b:s19+s3] =	stream.linear.scatter [tilespmem:s22], [sflag:$0x4], $0x61A8, $0x38;
	[tilespmem:$0x17F90] =	vst v63  }
.Ltmp6:
0xf5: {  	_ = 	snop;
	(pc) =	sbr.rel .LBB2_13-.Ltmp6, $4  }
0xf6: {  	_ =	swait.ge [sflag:s24], $0x61A8  }
0xf7: {  	[sflag:s24] =	ssyncset.done $0x0  }
0xf8: {  	s0 =	rddreg [dreg:$0x1b];
	[sflag:s24] =	ssyncadd.s32 $0xFFFF9E58  }
0xf9: {  	[tilespmem:s22], [sflag:$0x4] =	stream.linear.gather [spmem:s17], $0x61A8, $0x38;
	[tilespmem:$0x17F90] =	vst v63  }
.LBB2_8:
0xfa: {  	s0 =	simm.s32 $0x0  }
0xfb: {  	[tilespmem:s22], [sflag:$0x4] =	stream.linear.gather [hbm4b:s8+s0], $0x6200, $0x38;
	[tilespmem:$0x17F90] =	vst v63  }
0xfc: {  	_ =	swait.ge [sflag:s24], $0x6200  }
0xfd: {  	[sflag:s24] =	ssyncset.done $0x0  }
0xfe: {  	[sflag:s24] =	ssyncadd.s32 $0xFFFF9E00  }
0xff: {  	[spmem:s2] =	stream.linear.scatter [tilespmem:s22], [sflag:$0x4], $0x61A8, $0x38;
	[tilespmem:$0x17F90] =	vst v63  }
0x100: {  	_ =	swait.ge [sflag:s24], $0x61A8  }
0x101: {  	[sflag:s24] =	ssyncset.done $0x0  }
0x102: {  	[sflag:s24] =	ssyncadd.s32 $0xFFFF9E58  }
0x103: {  	[spmem:s4] =	stream.linear.scatter [tilespmem:s22], [sflag:$0x4], $0x61A8, $0x38;
	[tilespmem:$0x17F90] =	vst v63  }
0x104: {  	_ =	swait.ge [sflag:s24], $0x61A8  }
0x105: {  	[sflag:s24] =	ssyncset.done $0x0  }
0x106: {  	[sflag:s24] =	ssyncadd.s32 $0xFFFF9E58  }
0x107: {  	[spmem:s5] =	stream.linear.scatter [tilespmem:s22], [sflag:$0x4], $0x61A8, $0x38;
	[tilespmem:$0x17F90] =	vst v63  }
0x108: {  	_ =	swait.ge [sflag:s24], $0x61A8  }
0x109: {  	[sflag:s24] =	ssyncset.done $0x0  }
0x10a: {  	[sflag:s24] =	ssyncadd.s32 $0xFFFF9E58  }
0x10b: {  	[spmem:s10] =	stream.linear.scatter [tilespmem:s22], [sflag:$0x4], $0x61A8, $0x38;
	[tilespmem:$0x17F90] =	vst v63  }
0x10c: {  	_ =	swait.ge [sflag:s24], $0x61A8  }
0x10d: {  	[sflag:s24] =	ssyncset.done $0x0  }
0x10e: {  	[sflag:s24] =	ssyncadd.s32 $0xFFFF9E58  }
0x10f: {  	[spmem:s11] =	stream.linear.scatter [tilespmem:s22], [sflag:$0x4], $0x61A8, $0x38;
	[tilespmem:$0x17F90] =	vst v63  }
0x110: {  	_ =	swait.ge [sflag:s24], $0x61A8  }
0x111: {  	[sflag:s24] =	ssyncset.done $0x0  }
0x112: {  	[sflag:s24] =	ssyncadd.s32 $0xFFFF9E58  }
0x113: {  	[spmem:s12] =	stream.linear.scatter [tilespmem:s22], [sflag:$0x4], $0x61A8, $0x38;
	[tilespmem:$0x17F90] =	vst v63  }
0x114: {  	_ =	swait.ge [sflag:s24], $0x61A8  }
0x115: {  	[sflag:s24] =	ssyncset.done $0x0  }
0x116: {  	[sflag:s24] =	ssyncadd.s32 $0xFFFF9E58  }
0x117: {  	[spmem:s14] =	stream.linear.scatter [tilespmem:s22], [sflag:$0x4], $0x61A8, $0x38;
	[tilespmem:$0x17F90] =	vst v63  }
0x118: {  	_ =	swait.ge [sflag:s24], $0x61A8  }
0x119: {  	[sflag:s24] =	ssyncset.done $0x0  }
0x11a: {  	[sflag:s24] =	ssyncadd.s32 $0xFFFF9E58  }
0x11b: {  	[spmem:s15] =	stream.linear.scatter [tilespmem:s22], [sflag:$0x4], $0x61A8, $0x38;
	[tilespmem:$0x17F90] =	vst v63  }
0x11c: {  	_ =	swait.ge [sflag:s24], $0x61A8  }
0x11d: {  	[sflag:s24] =	ssyncset.done $0x0  }
0x11e: {  	[sflag:s24] =	ssyncadd.s32 $0xFFFF9E58  }
0x11f: {  	[spmem:s16] =	stream.linear.scatter [tilespmem:s22], [sflag:$0x4], $0x61A8, $0x38;
	[tilespmem:$0x17F90] =	vst v63  }
0x120: {  	_ =	swait.ge [sflag:s24], $0x61A8  }
0x121: {  	[sflag:s24] =	ssyncset.done $0x0  }
0x122: {  	[sflag:s24] =	ssyncadd.s32 $0xFFFF9E58  }
0x123: {  	[spmem:s17] =	stream.linear.scatter [tilespmem:s22], [sflag:$0x4], $0x61A8, $0x38;
	[tilespmem:$0x17F90] =	vst v63  }
0x124: {  	_ =	swait.ge [sflag:s24], $0x61A8  }
0x125: {  	[sflag:s24] =	ssyncset.done $0x0  }
0x126: {  	[sflag:s24] =	ssyncadd.s32 $0xFFFF9E58  }
0x127: {  	[tilespmem:s25], [sflag:$0x4] =	stream.linear.gather [hbm4b:s7+s0], $0x80, $0x38;
	[tilespmem:$0x17F90] =	vst v63  }
0x128: {  	_ =	swait.ge [sflag:s24], $0x80  }
0x129: {  	[sflag:s24] =	ssyncset.done $0x0  }
0x12a: {  	s6 =	rddreg [dreg:$0x7];
	[sflag:s24] =	ssyncadd.s32 $0xFFFFFF80  }
0x12b: {  	[tilespmem:s0], [sflag:$0x4] =	stream.linear.gather [hbm4b:s6+s0], $0x3200, $0x38;
	[tilespmem:$0x17F90] =	vst v63  }
0x12c: {  	_ =	swait.ge [sflag:s24], $0x3200  }
0x12d: {  	[sflag:s24] =	ssyncset.done $0x0  }
0x12e: {  	s18 =	simm.s32 $0x3400;
	s19 =	rddreg [dreg:$0x8];
	[sflag:s24] =	ssyncadd.s32 $0xFFFFCE00  }
0x12f: {  	[tilespmem:s18], [sflag:$0x4] =	stream.linear.gather [hbm4b:s19+s0], $0x3200, $0x38;
	[tilespmem:$0x17F90] =	vst v63  }
0x130: {  	_ =	swait.ge [sflag:s24], $0x3200  }
0x131: {  	[sflag:s24] =	ssyncset.done $0x0  }
0x132: {  	s18 =	rddreg [dreg:$0x1c];
	[sflag:s24] =	ssyncadd.s32 $0xFFFFCE00  }
0x133: {  	[tilespmem:s26], [sflag:$0x1] =	stream.linear.gather [hbm4b:s18+s0], $0x3C00, $0x38;
	[tilespmem:$0x17F90] =	vst v63  }
0x134: {  	_ =	swait.ge [sflag:s23], $0x3C00  }
0x135: {  	[sflag:s23] =	ssyncset.done $0x0  }
0x136: {  	[sflag:s23] =	ssyncadd.s32 $0xFFFFC400  }
0x137: {  	[tilespmem:s28], [sflag:$0x2] =	stream.linear.gather [hbm4b:s20+s3], $0x3C00, $0x38;
	[tilespmem:$0x17F90] =	vst v63  }
0x138: {  	s19 =	simm.s32 $0x0  }
0x139: {  	[hbm4b:s9+s29] =	stream.indirect.scatter [tilespmem:s26], [sflag:$0x4], $0x80, s19, s29, $0xb8;
	[tilespmem:$0x17F90] =	vst v63  }
0x13a: {  	_ =	swait.ge [sflag:s24], $0x3C00  }
0x13b: {  	[sflag:s24] =	ssyncset.done $0x0  }
0x13c: {  	s6 =	simm.s32 $0x3400;
	[sflag:s24] =	ssyncadd.s32 $0xFFFFC400  }
0x13d: {  	[spmem:s2] =	stream.indirect.scatter.add.s32 [tilespmem:s25], [sflag:$0x3], $0x1, s6, s29, $0xb8;
	[tilespmem:$0x17F90] =	vst v63  }
0x13e: {  	_ =	swait.ge [sflag:s30], $0x3C00  }
0x13f: {  	[sflag:s30] =	ssyncset.done $0x0  }
0x140: {  	s18 =	sadd.s32 $0x780, s20;
	[sflag:s30] =	ssyncadd.s32 $0xFFFFC400  }
0x141: {  	[tilespmem:s26], [sflag:$0x1] =	stream.linear.gather [hbm4b:s18+s3], $0x3C00, $0x38;
	[tilespmem:$0x17F90] =	vst v63  }
0x142: {  	s19 =	simm.s32 $0x80  }
0x143: {  	[hbm4b:s9+s29] =	stream.indirect.scatter [tilespmem:s28], [sflag:$0x4], $0x80, s19, s29, $0xb8;
	[tilespmem:$0x17F90] =	vst v63  }
0x144: {  	_ =	swait.ge [sflag:s24], $0x3C00  }
0x145: {  	s0 =	simm.s32 $0x400;
	[sflag:s24] =	ssyncset.done $0x0  }
0x146: {  	s6 =	sadd.s32 $0xF00, s20;
	s18 =	simm.s32 $0x3480;
	[sflag:s24] =	ssyncadd.s32 $0xFFFFC400  }
.LBB2_9:
0x147: {  	[spmem:s2] =	stream.indirect.scatter.add.s32 [tilespmem:s25], [sflag:$0x3], $0x1, s18, s29, $0xb8;
	[tilespmem:$0x17F90] =	vst v63  }
0x148: {  	s18 =	smov.u32 s0  }
0x149: {  	p2 =	sne.s32 s0, $0xC000;
	s0 =	sadd.s32 $0x400, s0;
	_ =	swait.ge [sflag:s23], $0x3C00  }
0x14a: {  	[sflag:s23] =	ssyncset.done $0x0  }
0x14b: {  	[sflag:s23] =	ssyncadd.s32 $0xFFFFC400  }
0x14c: {  	[tilespmem:s28], [sflag:$0x2] =	stream.linear.gather [hbm4b:s6+s3], $0x3C00, $0x38;
	[tilespmem:$0x17F90] =	vst v63  }
0x14d: {  	s18 =	sshra.s32 s18, $0x2  }
0x14e: {  	[hbm4b:s9+s29] =	stream.indirect.scatter [tilespmem:s26], [sflag:$0x4], $0x80, s18, s29, $0xb8;
	[tilespmem:$0x17F90] =	vst v63  }
0x14f: {  	_ =	swait.ge [sflag:s24], $0x3C00  }
0x150: {  	[sflag:s24] =	ssyncset.done $0x0  }
0x151: {  	s19 =	sadd.s32 $0x3400, s18;
	[sflag:s24] =	ssyncadd.s32 $0xFFFFC400  }
0x152: {  	[spmem:s2] =	stream.indirect.scatter.add.s32 [tilespmem:s25], [sflag:$0x3], $0x1, s19, s29, $0xb8;
	[tilespmem:$0x17F90] =	vst v63  }
0x153: {  	_ =	swait.ge [sflag:s30], $0x3C00  }
0x154: {  	[sflag:s30] =	ssyncset.done $0x0  }
0x155: {  	s19 =	sadd.s32 $0x780, s6;
	[sflag:s30] =	ssyncadd.s32 $0xFFFFC400  }
0x156: {  	[tilespmem:s26], [sflag:$0x1] =	stream.linear.gather [hbm4b:s19+s3], $0x3C00, $0x38;
	[tilespmem:$0x17F90] =	vst v63  }
.Ltmp7:
0x157: {  	s19 =	sadd.s32 $0x80, s18;
	(pc) =	sbr.rel @p2 .LBB2_9-.Ltmp7, $4  }
0x158: {  	[hbm4b:s9+s29] =	stream.indirect.scatter [tilespmem:s28], [sflag:$0x4], $0x80, s19, s29, $0xb8;
	[tilespmem:$0x17F90] =	vst v63  }
0x159: {  	_ =	swait.ge [sflag:s24], $0x3C00  }
0x15a: {  	[sflag:s24] =	ssyncset.done $0x0  }
0x15b: {  	s6 =	sadd.s32 $0xF00, s6;
	s18 =	sadd.s32 $0x3480, s18;
	[sflag:s24] =	ssyncadd.s32 $0xFFFFC400  }
0x15c: {  	[spmem:s2] =	stream.indirect.scatter.add.s32 [tilespmem:s25], [sflag:$0x3], $0x1, s18, s29, $0xb8;
	[tilespmem:$0x17F90] =	vst v63  }
0x15d: {  	_ =	swait.ge [sflag:s23], $0x3C00  }
0x15e: {  	[sflag:s23] =	ssyncset.done $0x0  }
0x15f: {  	s0 =	rddreg [dreg:$0x1d];
	[sflag:s23] =	ssyncadd.s32 $0xFFFFC400  }
0x160: {  	[tilespmem:s28], [sflag:$0x2] =	stream.linear.gather [hbm4b:s0+s3], $0x3C00, $0x38;
	[tilespmem:$0x17F90] =	vst v63  }
0x161: {  	s19 =	simm.s32 $0x3100  }
0x162: {  	[hbm4b:s9+s29] =	stream.indirect.scatter [tilespmem:s26], [sflag:$0x4], $0x80, s19, s29, $0xb8;
	[tilespmem:$0x17F90] =	vst v63  }
0x163: {  	_ =	swait.ge [sflag:s24], $0x3C00  }
0x164: {  	[sflag:s24] =	ssyncset.done $0x0  }
0x165: {  	s6 =	simm.s32 $0x6500;
	[sflag:s24] =	ssyncadd.s32 $0xFFFFC400  }
0x166: {  	[spmem:s2] =	stream.indirect.scatter.add.s32 [tilespmem:s25], [sflag:$0x3], $0x1, s6, s29, $0xb8;
	[tilespmem:$0x17F90] =	vst v63  }
0x167: {  	_ =	swait.ge [sflag:s30], $0x3C00  }
0x168: {  	[sflag:s30] =	ssyncset.done $0x0  }
0x169: {  	s18 =	simm.s32 $0x3180;
	[sflag:s30] =	ssyncadd.s32 $0xFFFFC400  }
0x16a: {  	[hbm4b:s9+s29] =	stream.indirect.scatter [tilespmem:s28], [sflag:$0x4], $0x80, s18, s29, $0xb8;
	[tilespmem:$0x17F90] =	vst v63  }
0x16b: {  	_ =	swait.ge [sflag:s24], $0x3C00  }
0x16c: {  	[sflag:s24] =	ssyncset.done $0x0  }
0x16d: {  	s19 =	simm.s32 $0x6580;
	[sflag:s24] =	ssyncadd.s32 $0xFFFFC400  }
0x16e: {  	[spmem:s2] =	stream.indirect.scatter.add.s32 [tilespmem:s25], [sflag:$0x3], $0x1, s19, s29, $0xb8;
	[tilespmem:$0x17F90] =	vst v63  }
0x16f: {  	_ =	swait.ge [sflag:s1], $0x78  }
0x170: {  	s0 =	simm.s32 $0x63;
	[sflag:s1] =	ssyncset.done $0x0  }
.LBB2_11:
0x171: {  	p2 =	sne.s32 s0, $0x1;
	s0 =	sadd.s32 $0xFFFFFFFF, s0;
	[sflag:s1] =	ssyncadd.s32 $0xFFFFFF88  }
.Ltmp8:
0x172: {  	(pc) =	sbr.rel @p2 .LBB2_11-.Ltmp8, $3  }
0x173: {  	_ =	sdelay $0x1  }
0x174: {  	_ =	swait.ge [sflag:s1], $0x78  }
0x175: {  	[sflag:s1] =	ssyncset.done $0x0  }
0x176: {  	[sflag:s1] =	ssyncadd.s32 $0xFFFFFF88  }
0x177: {  	[tilespmem:s22], [sflag:$0x4] =	stream.linear.gather [spmem:s2], $0x61A8, $0x38;
	[tilespmem:$0x17F90] =	vst v63  }
0x178: {  	_ =	swait.ge [sflag:s24], $0x61A8  }
0x179: {  	[sflag:s24] =	ssyncset.done $0x0  }
0x17a: {  	s0 =	rddreg [dreg:$0x9];
	[sflag:s24] =	ssyncadd.s32 $0xFFFF9E58  }
0x17b: {  	[hbm4b:s0+s3] =	stream.linear.scatter [tilespmem:s22], [sflag:$0x4], $0x61A8, $0x38;
	[tilespmem:$0x17F90] =	vst v63  }
0x17c: {  	_ =	swait.ge [sflag:s24], $0x61A8  }
0x17d: {  	[sflag:s24] =	ssyncset.done $0x0  }
0x17e: {  	[sflag:s24] =	ssyncadd.s32 $0xFFFF9E58  }
0x17f: {  	[tilespmem:s22], [sflag:$0x4] =	stream.linear.gather [spmem:s4], $0x61A8, $0x38;
	[tilespmem:$0x17F90] =	vst v63  }
0x180: {  	_ =	swait.ge [sflag:s24], $0x61A8  }
0x181: {  	[sflag:s24] =	ssyncset.done $0x0  }
0x182: {  	s18 =	rddreg [dreg:$0xa];
	[sflag:s24] =	ssyncadd.s32 $0xFFFF9E58  }
0x183: {  	[hbm4b:s18+s3] =	stream.linear.scatter [tilespmem:s22], [sflag:$0x4], $0x61A8, $0x38;
	[tilespmem:$0x17F90] =	vst v63  }
0x184: {  	_ =	swait.ge [sflag:s24], $0x61A8  }
0x185: {  	[sflag:s24] =	ssyncset.done $0x0  }
0x186: {  	[sflag:s24] =	ssyncadd.s32 $0xFFFF9E58  }
0x187: {  	[tilespmem:s22], [sflag:$0x4] =	stream.linear.gather [spmem:s5], $0x61A8, $0x38;
	[tilespmem:$0x17F90] =	vst v63  }
0x188: {  	_ =	swait.ge [sflag:s24], $0x61A8  }
0x189: {  	[sflag:s24] =	ssyncset.done $0x0  }
0x18a: {  	s19 =	rddreg [dreg:$0xb];
	[sflag:s24] =	ssyncadd.s32 $0xFFFF9E58  }
0x18b: {  	[hbm4b:s19+s3] =	stream.linear.scatter [tilespmem:s22], [sflag:$0x4], $0x61A8, $0x38;
	[tilespmem:$0x17F90] =	vst v63  }
0x18c: {  	_ =	swait.ge [sflag:s24], $0x61A8  }
0x18d: {  	[sflag:s24] =	ssyncset.done $0x0  }
0x18e: {  	[sflag:s24] =	ssyncadd.s32 $0xFFFF9E58  }
0x18f: {  	[tilespmem:s22], [sflag:$0x4] =	stream.linear.gather [spmem:s10], $0x61A8, $0x38;
	[tilespmem:$0x17F90] =	vst v63  }
0x190: {  	_ =	swait.ge [sflag:s24], $0x61A8  }
0x191: {  	[sflag:s24] =	ssyncset.done $0x0  }
0x192: {  	s6 =	rddreg [dreg:$0xc];
	[sflag:s24] =	ssyncadd.s32 $0xFFFF9E58  }
0x193: {  	[hbm4b:s6+s3] =	stream.linear.scatter [tilespmem:s22], [sflag:$0x4], $0x61A8, $0x38;
	[tilespmem:$0x17F90] =	vst v63  }
0x194: {  	_ =	swait.ge [sflag:s24], $0x61A8  }
0x195: {  	[sflag:s24] =	ssyncset.done $0x0  }
0x196: {  	[sflag:s24] =	ssyncadd.s32 $0xFFFF9E58  }
0x197: {  	[tilespmem:s22], [sflag:$0x4] =	stream.linear.gather [spmem:s11], $0x61A8, $0x38;
	[tilespmem:$0x17F90] =	vst v63  }
0x198: {  	_ =	swait.ge [sflag:s24], $0x61A8  }
0x199: {  	[sflag:s24] =	ssyncset.done $0x0  }
0x19a: {  	s18 =	rddreg [dreg:$0xd];
	[sflag:s24] =	ssyncadd.s32 $0xFFFF9E58  }
0x19b: {  	[hbm4b:s18+s3] =	stream.linear.scatter [tilespmem:s22], [sflag:$0x4], $0x61A8, $0x38;
	[tilespmem:$0x17F90] =	vst v63  }
0x19c: {  	_ =	swait.ge [sflag:s24], $0x61A8  }
0x19d: {  	[sflag:s24] =	ssyncset.done $0x0  }
0x19e: {  	[sflag:s24] =	ssyncadd.s32 $0xFFFF9E58  }
0x19f: {  	[tilespmem:s22], [sflag:$0x4] =	stream.linear.gather [spmem:s12], $0x61A8, $0x38;
	[tilespmem:$0x17F90] =	vst v63  }
0x1a0: {  	_ =	swait.ge [sflag:s24], $0x61A8  }
0x1a1: {  	[sflag:s24] =	ssyncset.done $0x0  }
0x1a2: {  	s19 =	rddreg [dreg:$0xe];
	[sflag:s24] =	ssyncadd.s32 $0xFFFF9E58  }
0x1a3: {  	[hbm4b:s19+s3] =	stream.linear.scatter [tilespmem:s22], [sflag:$0x4], $0x61A8, $0x38;
	[tilespmem:$0x17F90] =	vst v63  }
0x1a4: {  	_ =	swait.ge [sflag:s24], $0x61A8  }
0x1a5: {  	[sflag:s24] =	ssyncset.done $0x0  }
0x1a6: {  	[sflag:s24] =	ssyncadd.s32 $0xFFFF9E58  }
0x1a7: {  	[tilespmem:s22], [sflag:$0x4] =	stream.linear.gather [spmem:s14], $0x61A8, $0x38;
	[tilespmem:$0x17F90] =	vst v63  }
0x1a8: {  	_ =	swait.ge [sflag:s24], $0x61A8  }
0x1a9: {  	[sflag:s24] =	ssyncset.done $0x0  }
0x1aa: {  	s6 =	rddreg [dreg:$0xf];
	[sflag:s24] =	ssyncadd.s32 $0xFFFF9E58  }
0x1ab: {  	[hbm4b:s6+s3] =	stream.linear.scatter [tilespmem:s22], [sflag:$0x4], $0x61A8, $0x38;
	[tilespmem:$0x17F90] =	vst v63  }
0x1ac: {  	_ =	swait.ge [sflag:s24], $0x61A8  }
0x1ad: {  	[sflag:s24] =	ssyncset.done $0x0  }
0x1ae: {  	[sflag:s24] =	ssyncadd.s32 $0xFFFF9E58  }
0x1af: {  	[tilespmem:s22], [sflag:$0x4] =	stream.linear.gather [spmem:s15], $0x61A8, $0x38;
	[tilespmem:$0x17F90] =	vst v63  }
0x1b0: {  	_ =	swait.ge [sflag:s24], $0x61A8  }
0x1b1: {  	[sflag:s24] =	ssyncset.done $0x0  }
0x1b2: {  	s18 =	rddreg [dreg:$0x10];
	[sflag:s24] =	ssyncadd.s32 $0xFFFF9E58  }
0x1b3: {  	[hbm4b:s18+s3] =	stream.linear.scatter [tilespmem:s22], [sflag:$0x4], $0x61A8, $0x38;
	[tilespmem:$0x17F90] =	vst v63  }
0x1b4: {  	_ =	swait.ge [sflag:s24], $0x61A8  }
0x1b5: {  	[sflag:s24] =	ssyncset.done $0x0  }
0x1b6: {  	[sflag:s24] =	ssyncadd.s32 $0xFFFF9E58  }
0x1b7: {  	[tilespmem:s22], [sflag:$0x4] =	stream.linear.gather [spmem:s16], $0x61A8, $0x38;
	[tilespmem:$0x17F90] =	vst v63  }
0x1b8: {  	_ =	swait.ge [sflag:s24], $0x61A8  }
0x1b9: {  	[sflag:s24] =	ssyncset.done $0x0  }
0x1ba: {  	s19 =	rddreg [dreg:$0x11];
	[sflag:s24] =	ssyncadd.s32 $0xFFFF9E58  }
0x1bb: {  	[hbm4b:s19+s3] =	stream.linear.scatter [tilespmem:s22], [sflag:$0x4], $0x61A8, $0x38;
	[tilespmem:$0x17F90] =	vst v63  }
.Ltmp9:
0x1bc: {  	_ = 	snop;
	(pc) =	sbr.rel .LBB2_13-.Ltmp9, $4  }
0x1bd: {  	_ =	swait.ge [sflag:s24], $0x61A8  }
0x1be: {  	[sflag:s24] =	ssyncset.done $0x0  }
0x1bf: {  	s0 =	rddreg [dreg:$0x12];
	[sflag:s24] =	ssyncadd.s32 $0xFFFF9E58  }
0x1c0: {  	[tilespmem:s22], [sflag:$0x4] =	stream.linear.gather [spmem:s17], $0x61A8, $0x38;
	[tilespmem:$0x17F90] =	vst v63  }
.LBB2_15:
0x1c1: {  	_ =	sfence.sel $0x180000  }
0x1c2: {  	[bflag:$0x0] =	sbarrier.arrive $0xFFFF  }
0x1c3: {  	_ =	strace $0x9000004A  }
0x1c4: {  	s0 =	stileid.u32;
	[bflag:$0x2] =	sbarrier.arrive $0xFFFF  }
0x1c5: {  	p0 =	sne.s32 s0, $0x0;
	s0 =	rddreg [dreg:$0x3]  }
0x1c6: {  	s0 =	sadd.s32 @!p0 $0x100000, s0  }
0x1c7: {  	[sflag:s0] =	ssyncadd.tile.s32 @!p0 $0x1;
	_ =	shalt  }
.Lfunc_end2:
_tile_overlayer_lowered:
.L_overlay_start_2:
0x1c8: {  	(tag) =	ssettag $0x2  }
0x1c9: {  	s0 =	rddreg [dreg:$0x0];
	s2 =	stileid.u32  }
0x1ca: {  	s1 =	rddreg [dreg:$0x1];
	p0 =	sne.s32 s2, $0x0  }
0x1cb: {  	s3 =	rddreg [dreg:$0x2];
	[bflag:$0x3] =	sbarrier.arrive $0xFFFF;
	s2 =	simm.s32 @!p0 $0x1C04  }
0x1cc: {  	[timem:s3], [sflag:s2] =	dma.local @!p0 [hbm:s0], s1  }
0x1cd: {  	s0 =	simm.s32 @!p0 $0x4  }
0x1ce: {  	_ =	swait.ge @!p0 [sflag:s0], s1  }
0x1cf: {  	s1 =	ssub.s32 @!p0 $0x0, s1;
	[sflag:s0] =	ssyncset.done @!p0 $0x0  }
0x1d0: {  	[sflag:s0] =	ssyncadd.s32 @!p0 s1  }
0x1d1: {  	[bflag:$0x3] =	sbarrier.arrive $0xFFFF  }
0x1d2: {  	_ =	shalt  }

// kernel: sparse-core-data-format-call.cloned.1.call-start
scs
called_computation_lowered:
.L_overlay_start_0:
0x0: {  	s2 =	sld [smem:$0x3FD9]  }
0x1: {  	s3 =	sld [smem:$0x3FFE];
	_ =	sdelay $0x1  }
0x2: {  	s1 =	srdreg.scid  }
0x3: {  	s0 =	sand.u32 $0x1, s1  }
0x4: {  	s19 =	sshll.u32 s0, $0xA;
	s2 =	sadd.s32 s3, s2  }
0x5: {  	s2 =	sadd.s32 s2, s19  }
0x6: {  	[smem:$0x3FC3] =	sst s2  }
0x7: {  	_ = 	snop  }
0x8: {  	s2 =	sld [smem:$0x3FC9]  }
0x9: {  	s20 =	sld [smem:$0x3FD0];
	(tm) =	ssettm $0x1  }
0xa: {  	s4 =	sld [smem:$0x3FFB];
	_ =	sdelay $0x3  }
0xb: {  	_ =	strace s4  }
0xc: {  	s4 =	sld [smem:$0x3FFC];
	_ =	sdelay $0x3  }
0xd: {  	_ =	strace s4  }
0xe: {  	s4 =	sld [smem:$0x3FFD];
	_ =	sdelay $0x3  }
0xf: {  	_ =	strace s4  }
0x10: {  	_ =	strace $0x8FFFFFFF  }
0x11: {  	s21 =	sld [smem:$0x3FDB];
	_ =	sdelay $0x1  }
0x12: {  	s5 =	simm.s32 $_scs_section_size  }
0x13: {  	s6 =	simm.s32 $_size__tile_overlayer_lowered;
	s7 =	simm.s32 $_tile_overlayer_lowered  }
0x14: {  	s24 =	simm.s32 $0x1BFF;
	s23 =	sshll.u32 s7, $0x1;
	s4 =	sadd.s32 s5, s21  }
0x15: {  	s8 =	simm.s32 $0x0;
	s22 =	sshll.u32 s6, $0x1;
	s6 =	sadd.s32 s23, s4  }
0x16: {  	[timem:s8], [sflag:s24] =	dma.local [hbm:s6], s22  }
0x17: {  	_ =	swait.ge [sflag:s24], s22  }
0x18: {  	s5 =	ssub.s32 $0x0, s22;
	[sflag:s24] =	ssyncset.done $0x0  }
0x19: {  	[sflag:s24] =	ssyncadd.s32 s5;
	_ =	sdelay $0x1  }
0x1a: {  	s25 =	simm.s32 $0x1B8B  }
0x1b: {  	_ =	swait.ge [sflag:s25], $0x1  }
0x1c: {  	[sflag:s25] =	ssyncset.done $0x0  }
0x1d: {  	s26 =	simm.s32 $0x1B8E;
	[sflag:s25] =	ssyncadd.s32 $0xFFFFFFFF  }
0x1e: {  	s27 =	simm.s32 $execute0_lowered;
	[smem:$0x3FD2] =	sst s26  }
0x1f: {  	s5 =	sshll.u32 s27, $0x1;
	_ =	strace $0x80000046;
	[dreg:$0x1] =	wrdreg $0xFFFFFFFF  }
0x20: {  	s28 =	simm.s32 $_size_execute0_lowered;
	s4 =	sadd.s32 s4, s5;
	[dreg:$0x0] =	wrdreg $0x0  }
0x21: {  	s5 =	sshll.u32 s28, $0x1;
	[dreg:$0x2] =	wrdreg s4  }
0x22: {  	[dreg:$0x3] =	wrdreg s5  }
0x23: {  	[dreg:$0x4] =	wrdreg $0xC0  }
0x24: {  	_ =	task [dreg:s8], $0x5FFFF  }
0x25: {  	[dreg:$0x1] =	wrdreg $0xFFFFFFFF  }
0x26: {  	[dreg:$0x0] =	wrdreg $0x60  }
0x27: {  	[dreg:$0x2] =	wrdreg s2  }
0x28: {  	[dreg:$0x3] =	wrdreg s20  }
0x29: {  	[dreg:$0x4] =	wrdreg $0x9  }
0x2a: {  	_ =	task.clear_ibuf [dreg:s8], $0x5FFFF;
	_ =	strace $0x90000046  }
0x2b: {  	s29 =	simm.s32 $0x9;
	_ =	strace $0x80000048  }
0x2c: {  	_ =	swait.ge [sflag:s29], $0x1  }
0x2d: {  	[sflag:s29] =	ssyncadd.s32 $0xFFFFFFFF  }
0x2e: {  	_ =	strace $0x90000048  }
0x2f: {  	_ =	sfence  }
0x30: {  	s30 =	sld [smem:$0x0];
	_ =	sdelay $0x2  }
0x31: {  	s31 =	sshll.u32 s1, $0xD;
	s1 =	sshrl.u32 s1, $0x2  }
0x32: {  	s3 =	sand.u32 $0x4000, s31;
	s1 =	sadd.s32 s1, s30  }
0x33: {  	s0 =	sor.u32 s3, s0;
	s1 =	sshll.u32 s1, $0x11  }
0x34: {  	s0 =	sor.u32 s1, s0  }
0x35: {  	s0 =	sadd.s32 $0x8F2B, s0  }
0x36: {  	[sflag:s0] =	ssyncadd.remote.s32 $0x1  }
0x37: {  	_ =	sfence.sel $0xFFFF  }
0x38: {  	[dreg:$0x0] =	wrdreg $0xFFFFFFFF;
	(pc) =	sbr.abs _section_cstart, $3  }
0x39: {  	[dreg:$0x1] =	wrdreg $0xFFFFFFFF  }
0x3a: {  	_ =	task.clear_ibuf [dreg:s8], $0x2FFFF;
	_ =	strace $0x9FFFFFFF  }
0x3b: {  	(tm) =	ssettm $0x7FFFFFFF  }
tec
execute0_lowered:
.L_overlay_start_1:
0x0: {  	(tag) =	ssettag $0x1  }
0x1: {  	s2 =	stileid.u32  }
0x2: {  	s0 =	srdreg.scid;
	_ =	strace $0x80000047;
	s30 =	simm.s32 $0x1  }
0x3: {  	s31 =	simm.s32 $0x2;
	s1 =	sshll.u32 s2, $0x6;
	s0 =	sshll.u32 s0, $0xA  }
0x4: {  	s20 =	simm.s32 $0x0;
	s23 =	simm.s32 $0x0;
	s0 =	sor.u32 s1, s0  }
0x5: {  	s21 =	simm.s32 $0x0;
	s7 =	sand.u32 $0x1, s2;
	s8 =	sand.u32 $0x780, s0  }
0x6: {  	s22 =	simm.s32 $0x0;
	s27 =	ssub.s32 $0x2, s7;
	s28 =	ssub.s32 $0x2E80, s8  }
0x7: {  	s29 =	sshrl.u32 s27, $0x1;
	s0 =	sand.u32 $0x1, s27;
	s1 =	sshrl.u32 s28, $0xB  }
0x8: {  	s11 =	simm.s32 $0x0;
	s0 =	sadd.s32 s0, s29;
	s1 =	sadd.s32 $0x1, s1  }
0x9: {  	s12 =	simm.s32 $0x0;
	s13 =	simm.s32 $0x0;
	s0 =	smul.u32 s1, s0  }
.Ltmp0:
0xa: {  	s15 =	simm.s32 $0x0;
	s17 =	simm.s32 $0x0;
	(pc) =	sbr.rel .LBB1_1-.Ltmp0, $4  }
0xb: {  	s18 =	simm.s32 $0x0;
	[dreg:$0x3] =	wrdreg s7;
	s9 =	smul.u32 $0xA, s0  }
0xc: {  	s19 =	simm.s32 $0x0;
	[sflag:s30] =	ssyncpa.u1 $0x0;
	[dreg:$0x4] =	wrdreg s8  }
0xd: {  	[sflag:s31] =	ssyncpa.u1 $0x0;
	s10 =	sor.u32 $0x1, s9;
	[dreg:$0x5] =	wrdreg s9  }
0xe: {  	s16 =	smov.u32 s7;
	s14 =	smov.u32 s8;
	[dreg:$0x6] =	wrdreg s10  }
.LBB1_18:
0xf: {  	s11 =	rddreg [dreg:$0x7]  }
0x10: {  	s13 =	rddreg [dreg:$0x9]  }
0x11: {  	s3 =	rddreg [dreg:$0x14]  }
0x12: {  	s4 =	rddreg [dreg:$0x15]  }
0x13: {  	s5 =	rddreg [dreg:$0x16]  }
0x14: {  	s15 =	rddreg [dreg:$0xb]  }
0x15: {  	s12 =	rddreg [dreg:$0x8]  }
0x16: {  	s6 =	rddreg [dreg:$0x1]  }
0x17: {  	s30 =	rddreg [dreg:$0x17]  }
0x18: {  	s7 =	rddreg [dreg:$0x3]  }
0x19: {  	s8 =	rddreg [dreg:$0x4]  }
0x1a: {  	s9 =	rddreg [dreg:$0x5]  }
0x1b: {  	s10 =	rddreg [dreg:$0x6]  }
0x1c: {  	s14 =	rddreg [dreg:$0xa]  }
0x1d: {  	s16 =	rddreg [dreg:$0xc]  }
0x1e: {  	s17 =	rddreg [dreg:$0xd]  }
0x1f: {  	s18 =	rddreg [dreg:$0xe]  }
0x20: {  	s19 =	rddreg [dreg:$0xf]  }
0x21: {  	s20 =	rddreg [dreg:$0x10]  }
0x22: {  	s21 =	rddreg [dreg:$0x11]  }
0x23: {  	s22 =	rddreg [dreg:$0x12]  }
0x24: {  	s23 =	rddreg [dreg:$0x13];
	s0 =	sshll.u32 s11, $0x7;
	s1 =	sshll.u32 s13, $0x3  }
0x25: {  	p0 =	sgt.s32 s13, $0x0;
	s2 =	sand.u32 $0xFFFFFC00, s0;
	s1 =	sand.u32 $0xFFFFFC00, s1  }
0x26: {  	s25 =	smul.u32 $0x2EE00, s15;
	s0 =	sand.u32 $0x380, s0;
	s1 =	sadd.s32 s1, s2  }
0x27: {  	s26 =	smul.u32 $0x1D4C00, s12;
	s2 =	smov.u32 s13;
	s0 =	sor.u32 s0, s1  }
0x28: {  	s2 =	simm.s32 @!p0 $0x0;
	p0 =	sgt.s32 s11, $0x2E60;
	s0 =	sshrl.u32 s0, $0x7  }
0x29: {  	s2 =	sadd.s32 s2, s3;
	s3 =	smov.u32 s11;
	s24 =	smulhi.u32 $0x2BB0CF9, s0  }
0x2a: {  	s3 =	simm.s32 @!p0 $0x2E60;
	p0 =	sgt.s32 s2, $0x7F;
	s2 =	ssub.s32 $0x80, s2  }
0x2b: {  	s27 =	sshrl.u32 s13, $0x3;
	s3 =	sadd.s32 s4, s3;
	s2 =	simm.s32 @p0 $0x0  }
0x2c: {  	s1 =	sshrl.u32 s24, $0x7;
	s4 =	sadd.s32 $0xFFFFD1A0, s3;
	s2 =	smul.u32 s2, s5  }
0x2d: {  	s3 =	ssub.s32 $0x2EE0, s3;
	s1 =	smul.u32 $0x2EE0, s1;
	p0 =	sgt.s32 s4, $0x7F  }
0x2e: {  	s28 =	sand.u32 $0xF, s27;
	s4 =	sadd.s32 s6, s25;
	s3 =	simm.s32 @p0 $0x0  }
0x2f: {  	s29 =	sadd.s32 s26, s4;
	s2 =	smul.u32 s3, s2;
	s0 =	ssub.s32 s0, s1  }
0x30: {  	s31 =	sand.u32 $0x7, s13;
	s1 =	sadd.s32 s28, s29;
	s0 =	sshll.u32 s0, $0x4  }
0x31: {  	s3 =	sor.u32 $0x8000, s30;
	s2 =	sand.u32 $0x3FFFFFFF, s2;
	s0 =	sadd.s32 s0, s1  }
0x32: {  	[hbm4b:s0+s31] =	stream.linear.scatter [tilespmem:s3], [sflag:$0x2], s2, $0x20;
	[tilespmem:$0x10100] =	vst v63  }
.LBB1_19:
0x33: {  	p0 =	slt.u32 s19, $0x2;
	s1 =	smov.u32 s23;
	s5 =	smov.u32 s16  }
0x34: {  	p1 =	sgt.s32 @!p0 s23, $0x1;
	s0 =	sshra.s32 @!p0 s23, $0x1F;
	s2 =	sshra.s32 @!p0 s22, $0x1F  }
0x35: {  	s3 =	sshra.s32 @!p0 s20, $0x1F;
	s4 =	ssub.s32 @!p0 $0x0, s21;
	p1 =	por !p1, p0  }
0x36: {  	s0 =	sand.u32 @!p0 s0, s23;
	s2 =	sand.u32 @!p0 s2, s22;
	s3 =	sand.u32 @!p0 s3, s20  }
0x37: {  	s1 =	simm.s32 @p1 $0x1;
	s0 =	sxor.u32 @!p0 $0xFFFFFFFF, s0;
	p1 =	sgt.s32 @!p0 s22, $0x9  }
0x38: {  	s0 =	sadd.s32 @!p0 s0, s1;
	p1 =	por !p1, p0;
	s1 =	smov.u32 s22  }
0x39: {  	s4 =	smin.u32 @!p0 s21, s4;
	p2 =	sgt.s32 @!p0 s0, $0x0;
	s1 =	simm.s32 @p1 $0x9  }
0x3a: {  	s0 =	ssub.s32 @!p0 $0x1, s0;
	p1 =	por !p2, p0;
	s1 =	ssub.s32 @!p0 s1, s2  }
0x3b: {  	s0 =	simm.s32 @!p1 $0x0;
	s2 =	sadd.s32 @!p0 $0xFFFFFFF7, s1;
	p1 =	sgt.s32 @!p0 s20, $0x2E60  }
0x3c: {  	p2 =	sgt.s32 @!p0 s2, $0x0;
	p1 =	por !p1, p0;
	s2 =	smov.u32 s20  }
0x3d: {  	s1 =	ssub.s32 @!p0 $0xA, s1;
	s2 =	simm.s32 @p1 $0x2E60;
	p1 =	por !p2, p0  }
0x3e: {  	s1 =	simm.s32 @!p1 $0x0;
	s2 =	ssub.s32 @!p0 s2, s3;
	p1 =	sgt.s32 @!p0 s4, $0x7F  }
0x3f: {  	s4 =	ssub.s32 @!p0 $0x80, s4;
	s3 =	sadd.s32 @!p0 $0xFFFFD1A0, s2;
	p1 =	por !p1, p0  }
0x40: {  	s2 =	ssub.s32 @!p0 $0x2EE0, s2;
	s4 =	simm.s32 @!p1 $0x0;
	p1 =	sgt.s32 @!p0 s3, $0x7F  }
0x41: {  	s3 =	sadd.s32 $0x800, s14;
	p1 =	por !p1, p0;
	s1 =	smul.u32 @!p0 s1, s4  }
0x42: {  	s4 =	sadd.s32 $0x2, s16;
	s2 =	simm.s32 @!p1 $0x0;
	p1 =	sgt.s32 s3, $0x2EDF  }
0x43: {  	s0 =	smul.u32 @!p0 s0, s1;
	s5 =	smov.u32 @p1 s4;
	s3 =	smov.u32 @p1 s8  }
0x44: {  	s1 =	sadd.s32 $0x80, s17;
	s4 =	smov.u32 s17;
	p1 =	sgt.s32 s5, $0x1  }
0x45: {  	s4 =	smov.u32 @p1 s1  }
0x46: {  	s5 =	smov.u32 @p1 s7;
	s1 =	simm.s32 $0x1;
	p1 =	sgt.s32 s4, $0x63  }
0x47: {  	s23 =	smov.u32 s12;
	s21 =	smov.u32 s13;
	s1 =	simm.s32 @!p1 $0x0  }
0x48: {  	s12 =	smov.u32 s16;
	s13 =	smov.u32 s17;
	s1 =	sadd.s32 s1, s18  }
0x49: {  	s22 =	smov.u32 s15;
	s4 =	simm.s32 @p1 $0x0;
	p1 =	sgt.s32 s1, $0x9  }
0x4a: {  	s0 =	smul.u32 @!p0 s2, s0;
	s1 =	simm.s32 @p1 $0x0;
	p1 =	sne.s32 s19, s10  }
.Ltmp1:
0x4b: {  	s15 =	smov.u32 s18;
	s20 =	smov.u32 s11;
	(pc) =	sbr.rel @!p1 .LBB1_20-.Ltmp1, $4  }
0x4c: {  	s11 =	smov.u32 s14;
	s2 =	simm.s32 @!p0 $0x2;
	s0 =	sand.u32 @!p0 $0x3FFFFFFF, s0  }
0x4d: {  	s14 =	smov.u32 s3;
	s16 =	smov.u32 s5;
	_ =	swait.ge @!p0 [sflag:s2], s0  }
0x4e: {  	s0 =	ssub.s32 @!p0 $0x0, s0;
	s17 =	smov.u32 s4;
	[sflag:s2] =	ssyncset.done @!p0 $0x0  }
0x4f: {  	s19 =	sadd.s32 $0x1, s19;
	[sflag:s2] =	ssyncadd.s32 @!p0 s0;
	s18 =	smov.u32 s1  }
.LBB1_1:
0x50: {  	p0 =	sge.u32 s19, s9  }
.Ltmp2:
0x51: {  	_ = 	snop;
	(pc) =	sbr.rel @p0 .LBB1_3-.Ltmp2, $1  }
0x52: {  	_ =	sdelay $0x3  }
0x53: {  	s0 =	sshrl.u32 s16, $0x1  }
0x54: {  	s1 =	sshll.u32 s14, $0x1;
	s2 =	sshll.u32 s16, $0x7;
	s3 =	sand.u32 $0x7F, s14  }
0x55: {  	p0 =	sgt.s32 s18, $0x9;
	s26 =	sshra.s32 s18, $0x1F;
	s4 =	sshra.s32 s17, $0x1F  }
0x56: {  	s29 =	sshra.s32 s16, $0x1F;
	s6 =	smov.u32 s16;
	s31 =	sshra.s32 s14, $0x1F  }
0x57: {  	s0 =	smul.u32 $0x5E00, s0;
	s25 =	sand.u32 $0x80, s2;
	s2 =	smov.u32 s18  }
0x58: {  	s1 =	sand.u32 $0xFFFFFF00, s1;
	s4 =	sand.u32 s4, s17;
	s2 =	simm.s32 @!p0 $0x9  }
0x59: {  	s0 =	sadd.s32 s0, s1;
	s1 =	sor.u32 s3, s25;
	s25 =	smul.u32 $0x49700, s18  }
0x5a: {  	p0 =	sgt.s32 s17, $0xFFFFFFE4;
	s3 =	sand.u32 s26, s18;
	s26 =	smul.u32 $0xBC0, s17  }
0x5b: {  	s1 =	sor.u32 s0, s1;
	s2 =	ssub.s32 s2, s3;
	s3 =	smov.u32 s17  }
0x5c: {  	s0 =	smulhi.u32 $0xAE4C415D, s0;
	s5 =	sadd.s32 $0xFFFFFFF7, s2;
	s3 =	simm.s32 @!p0 $0xFFFFFFE4  }
0x5d: {  	s2 =	ssub.s32 $0xA, s2;
	s27 =	smulhi.u32 $0xAE4C415D, s1;
	p0 =	sgt.s32 s5, $0x0  }
0x5e: {  	s3 =	ssub.s32 s3, s4;
	s5 =	sand.u32 s29, s16;
	s0 =	sshrl.u32 s0, $0xD  }
0x5f: {  	s2 =	simm.s32 @p0 $0x0;
	s28 =	sadd.s32 $0x1C, s3;
	s3 =	ssub.s32 $0x64, s3  }
0x60: {  	s30 =	sxor.u32 $0xFFFFFFFF, s5;
	s5 =	smov.u32 s14;
	s4 =	sshrl.u32 s27, $0xD  }
0x61: {  	s0 =	sand.u32 $0x1, s0;
	s27 =	rddreg [dreg:$0x0];
	p0 =	sgt.s32 s28, $0x7F  }
0x62: {  	s4 =	smul.u32 $0x2F00, s4;
	s3 =	simm.s32 @p0 $0x0;
	p0 =	sgt.s32 s16, $0x1  }
0x63: {  	s2 =	smul.u32 s2, s3;
	s6 =	simm.s32 @!p0 $0x1;
	p0 =	sgt.s32 s14, $0x2E80  }
0x64: {  	s1 =	ssub.s32 s1, s4;
	s3 =	sadd.s32 s30, s6;
	s5 =	simm.s32 @!p0 $0x2E80  }
0x65: {  	s6 =	sand.u32 s31, s14;
	p0 =	sgt.s32 s3, $0x0;
	s3 =	ssub.s32 $0x1, s3  }
0x66: {  	s28 =	sand.u32 $0x7, s1;
	s5 =	ssub.s32 s5, s6;
	s3 =	simm.s32 @p0 $0x0  }
0x67: {  	s1 =	sshrl.u32 s1, $0x3;
	s6 =	sadd.s32 $0xFFFFD180, s5;
	s2 =	smul.u32 s3, s2  }
0x68: {  	p0 =	sgt.s32 s6, $0x7F;
	s3 =	ssub.s32 $0x2F00, s5;
	s6 =	sxor.u32 $0xFFFFFFFF, s19  }
0x69: {  	s3 =	simm.s32 @p0 $0x0;
	s5 =	sshll.u32 s6, $0xE;
	p0 =	seq.s32 s0, $0x1  }
0x6a: {  	s0 =	simm.s32 $0x5E0;
	s24 =	sand.u32 $0x4000, s5;
	s5 =	sadd.s32 s27, s25  }
0x6b: {  	s2 =	smul.u32 s3, s2;
	s0 =	simm.s32 @!p0 $0x0;
	s4 =	sadd.s32 s26, s5  }
0x6c: {  	s31 =	simm.s32 $0x5E00;
	s29 =	sshll.u32 s28, $0x12;
	s0 =	sadd.s32 s0, s4  }
0x6d: {  	s30 =	sor.u32 $0x80, s29;
	s2 =	sand.u32 $0x3FFFFFFF, s2;
	s0 =	sadd.s32 s1, s0  }
0x6e: {  	[tilespmem:s24], [sflag:$0x1] =	stream.strided.gather [hbm4b:s0+s30], s2, s31, s30, $0x38;
	[tilespmem:$0x10100] =	vst v63  }
.LBB1_3:
0x6f: {  	s0 =	sadd.s32 $0xFFFFFFFF, s19  }
0x70: {  	p0 =	sge.u32 s0, s9  }
.Ltmp3:
0x71: {  	_ = 	snop;
	(pc) =	sbr.rel @p0 .LBB1_19-.Ltmp3, $1  }
0x72: {  	_ =	sdelay $0x3  }
0x73: {  	[dreg:$0x13] =	wrdreg s23  }
0x74: {  	[dreg:$0x12] =	wrdreg s22  }
0x75: {  	[dreg:$0x11] =	wrdreg s21  }
0x76: {  	[dreg:$0x10] =	wrdreg s20  }
0x77: {  	[dreg:$0xe] =	wrdreg s18  }
0x78: {  	[dreg:$0xd] =	wrdreg s17  }
0x79: {  	[dreg:$0xc] =	wrdreg s16  }
0x7a: {  	[dreg:$0xa] =	wrdreg s14  }
0x7b: {  	p0 =	sgt.s32 s15, $0x9;
	s0 =	smov.u32 s15;
	s1 =	sshra.s32 s15, $0x1F  }
0x7c: {  	s2 =	ssub.s32 $0x0, s13;
	s3 =	sshra.s32 s13, $0x1F;
	s23 =	sshra.s32 s12, $0x1F  }
0x7d: {  	p1 =	sgt.s32 s13, $0xFFFFFFE4;
	p2 =	sgt.s32 s12, $0x1;
	s25 =	ssub.s32 $0x0, s11  }
0x7e: {  	s5 =	sshra.s32 s11, $0x1F;
	[dreg:$0x7] =	wrdreg s11;
	s6 =	smov.u32 s11  }
0x7f: {  	s0 =	simm.s32 @!p0 $0x9;
	s1 =	sand.u32 s1, s15;
	s4 =	sand.u32 s2, s3  }
0x80: {  	s2 =	smov.u32 s13;
	s3 =	smov.u32 s12;
	s0 =	ssub.s32 s0, s1  }
0x81: {  	s2 =	simm.s32 @!p1 $0xFFFFFFE4;
	s3 =	simm.s32 @!p2 $0x1;
	[dreg:$0x14] =	wrdreg s4  }
0x82: {  	p1 =	sgt.s32 s11, $0x2E80;
	s1 =	sadd.s32 $0xFFFFFFF7, s0;
	s0 =	ssub.s32 $0xA, s0  }
0x83: {  	s2 =	sadd.s32 s4, s2;
	p0 =	sgt.s32 s1, $0x0;
	s1 =	sand.u32 s23, s12  }
0x84: {  	s4 =	sand.u32 s25, s5;
	s6 =	simm.s32 @!p1 $0x2E80;
	s1 =	sxor.u32 $0xFFFFFFFF, s1  }
0x85: {  	s24 =	sadd.s32 $0x1C, s2;
	[dreg:$0x15] =	wrdreg s4;
	s1 =	sadd.s32 s1, s3  }
0x86: {  	s0 =	simm.s32 @p0 $0x0;
	p0 =	sgt.s32 s1, $0x0;
	s1 =	ssub.s32 $0x1, s1  }
0x87: {  	s26 =	sadd.s32 s4, s6;
	s2 =	ssub.s32 $0x64, s2;
	s1 =	simm.s32 @p0 $0x0  }
0x88: {  	p1 =	sgt.s32 s24, $0x7F;
	s4 =	sadd.s32 $0xFFFFD180, s26;
	s1 =	smul.u32 s0, s1  }
0x89: {  	s2 =	simm.s32 @p1 $0x0;
	p0 =	sgt.s32 s4, $0x7F;
	s0 =	ssub.s32 $0x2F00, s26  }
0x8a: {  	[dreg:$0x16] =	wrdreg s1;
	s1 =	smul.u32 s2, s1;
	s2 =	sadd.s32 $0x1, s15  }
0x8b: {  	s3 =	sadd.s32 $0x80, s13;
	s0 =	simm.s32 @p0 $0x0;
	p0 =	slt.s32 s2, $0xA  }
0x8c: {  	s0 =	smul.u32 s0, s1;
	s2 =	simm.s32 @!p0 $0xA;
	p0 =	slt.s32 s3, $0x64  }
0x8d: {  	s1 =	sadd.s32 $0x1, s12;
	s2 =	ssub.s32 s2, s15;
	s3 =	simm.s32 @!p0 $0x64  }
0x8e: {  	p1 =	slt.s32 s1, $0x2;
	s3 =	ssub.s32 s3, s13;
	p0 =	slt.s32 s2, $0x1  }
0x8f: {  	[dreg:$0xb] =	wrdreg s15;
	s1 =	simm.s32 @!p1 $0x2;
	p1 =	slt.s32 @!p0 s3, $0x1  }
0x90: {  	[dreg:$0x9] =	wrdreg s13;
	s29 =	ssub.s32 s1, s12;
	p1 =	por p0, p1  }
0x91: {  	[dreg:$0x8] =	wrdreg s12;
	p2 =	slt.s32 @!p1 s29, $0x1  }
0x92: {  	[dreg:$0xf] =	wrdreg s19;
	p1 =	por p1, p2  }
.Ltmp4:
0x93: {  	s28 =	simm.s32 $0x1;
	[dreg:$0x18] =	wrdreg s2;
	(pc) =	sbr.rel @p1 .LBB1_18-.Ltmp4, $4  }
0x94: {  	s27 =	sand.u32 $0x3FFFFFFF, s0;
	s0 =	sand.u32 $0x1, s19;
	[dreg:$0x19] =	wrdreg s3  }
0x95: {  	s31 =	smul.u32 $0x4080, s0;
	_ =	swait.ge [sflag:s28], s27  }
0x96: {  	s30 =	ssub.s32 $0x0, s27;
	[sflag:s28] =	ssyncset.done $0x0  }
0x97: {  	[dreg:$0x17] =	wrdreg s31;
	[sflag:s28] =	ssyncadd.s32 s30  }
0x98: {  	s2 =	rddreg [dreg:$0x7]  }
0x99: {  	s1 =	sadd.s32 $0x80, s2  }
0x9a: {  	p1 =	slt.s32 s1, $0x2EE0  }
.Ltmp5:
0x9b: {  	s1 =	simm.s32 @!p1 $0x2EE0;
	(pc) =	sbr.rel .LBB1_6-.Ltmp5, $4  }
0x9c: {  	s0 =	sshll.u32 @!p0 s0, $0xE;
	s1 =	ssub.s32 s1, s2  }
0x9d: {  	s4 =	simm.s32 $0x0;
	[dreg:$0x1a] =	wrdreg s0;
	s1 =	sadd.s32 $0xF, s1  }
0x9e: {  	s0 =	rddreg [dreg:$0x17];
	s30 =	sand.u32 $0xFFFFFFF0, s1;
	s31 =	sand.u32 @!p0 $0xFFFFFF00, s1  }
0x9f: {  	s0 =	sor.u32 @!p0 $0x8000, s0;
	p0 =	slt.s32 s1, $0x100;
	p1 =	sge.s32 s31, s30  }
.LBB1_17:
0xa0: {  	s4 =	sadd.s32 $0x1, s4;
	s1 =	rddreg [dreg:$0x18]  }
0xa1: {  	p2 =	sne.s32 s4, s1  }
.Ltmp6:
0xa2: {  	_ = 	snop;
	(pc) =	sbr.rel @!p2 .LBB1_18-.Ltmp6, $1  }
0xa3: {  	_ =	sdelay $0x3  }
.LBB1_6:
.Ltmp7:
0xa4: {  	(pc) =	sbr.rel .LBB1_7-.Ltmp7, $4  }
0xa5: {  	_ = 	snop  }
0xa6: {  	s1 =	sshll.u32 s4, $0x10  }
0xa7: {  	s2 =	rddreg [dreg:$0x1a];
	s1 =	sshra.s32 s1, $0x2  }
0xa8: {  	s9 =	simm.s32 $0x0;
	s5 =	sadd.s32 s1, s2  }
.LBB1_16:
0xa9: {  	s9 =	sadd.s32 $0x1, s9;
	s1 =	rddreg [dreg:$0x19]  }
0xaa: {  	p2 =	sne.s32 s9, s1  }
.Ltmp8:
0xab: {  	_ = 	snop;
	(pc) =	sbr.rel @!p2 .LBB1_17-.Ltmp8, $1  }
0xac: {  	_ =	sdelay $0x3  }
.LBB1_7:
0xad: {  	s6 =	sshrl.u32 s9, $0x4;
	s1 =	sshll.u32 s9, $0x3;
	s2 =	sshll.u32 s9, $0x9  }
0xae: {  	s3 =	sand.u32 $0x78, s6;
	s7 =	sadd.s32 $0x800, s1;
	s8 =	sadd.s32 $0x1000, s1  }
0xaf: {  	s11 =	sadd.s32 $0x1800, s1;
	s2 =	sshra.s32 s2, $0x2;
	s25 =	sadd.s32 $0x2800, s1  }
0xb0: {  	s26 =	sadd.s32 $0x3000, s1;
	s1 =	sadd.s32 $0x3800, s1;
	s10 =	smul.u32 $0x204, s3  }
0xb1: {  	s7 =	sshrl.u32 s7, $0x7;
	s8 =	sshrl.u32 s8, $0x7;
	s3 =	sxor.u32 $0x40, s3  }
0xb2: {  	s21 =	sshrl.u32 s11, $0x7;
	s7 =	sand.u32 $0x78, s7;
	s3 =	smul.u32 $0x204, s3  }
0xb3: {  	s1 =	sshrl.u32 s1, $0x7;
	s20 =	sand.u32 $0x78, s8;
	s12 =	smul.u32 $0x204, s7  }
0xb4: {  	s24 =	sand.u32 $0x78, s21;
	s8 =	sshrl.u32 s26, $0x7;
	s22 =	smul.u32 $0x204, s20  }
0xb5: {  	s28 =	sand.u32 $0x78, s1;
	s1 =	sadd.s32 s2, s5;
	s13 =	smul.u32 $0x204, s24  }
0xb6: {  	s7 =	sshrl.u32 s25, $0x7;
	s27 =	sand.u32 $0x78, s8;
	s16 =	smul.u32 $0x204, s28  }
.Ltmp9:
0xb7: {  	s8 =	sand.u32 $0x7F, s9;
	s26 =	sshrl.u32 s10, $0x2;
	(pc) =	sbr.rel .LBB1_8-.Ltmp9, $4  }
0xb8: {  	s7 =	sand.u32 $0x78, s7;
	s15 =	smul.u32 $0x204, s27;
	s2 =	sadd.s32 s8, s0  }
0xb9: {  	s20 =	sshrl.u32 s3, $0x2;
	s14 =	smul.u32 $0x204, s7;
	s7 =	simm.s32 $0x0  }
0xba: {  	s23 =	sshrl.u32 s12, $0x2;
	s24 =	sshrl.u32 s22, $0x2;
	s25 =	sshrl.u32 s13, $0x2  }
0xbb: {  	s11 =	sshrl.u32 s15, $0x2;
	s19 =	sshrl.u32 s14, $0x2;
	s14 =	sshrl.u32 s16, $0x2  }
.LBB1_15:
0xbc: {  	s7 =	sadd.s32 $0x1, s7  }
0xbd: {  	p2 =	sne.s32 s7, s29  }
.Ltmp10:
0xbe: {  	_ = 	snop;
	(pc) =	sbr.rel @!p2 .LBB1_16-.Ltmp10, $1  }
0xbf: {  	_ =	sdelay $0x3  }
.LBB1_8:
.Ltmp11:
0xc0: {  	(pc) =	sbr.rel @p0 .LBB1_12-.Ltmp11, $2  }
0xc1: {  	_ =	sdelay $0x2  }
0xc2: {  	s17 =	sshll.u32 s7, $0x7;
	s21 =	sadd.s32 s4, s7  }
0xc3: {  	s3 =	smul.u32 $0x10200, s21;
	s10 =	sand.u32 $0x80, s17  }
0xc4: {  	s22 =	sadd.s32 s10, s1  }
0xc5: {  	s3 =	sshra.s32 s3, $0x2;
	v1 =	vld [tilespmem:s22+$0x50]  }
0xc6: {  	v2 =	vld [tilespmem:s22+$0x40];
	s3 =	sadd.s32 s3, s0  }
0xc7: {  	v4 =	vld [tilespmem:s22+$0x30];
	s12 =	sadd.s32 s26, s3;
	s15 =	sadd.s32 s23, s3  }
0xc8: {  	v5 =	vld [tilespmem:s22+$0x20];
	s27 =	sadd.s32 s20, s3;
	s13 =	sadd.s32 s8, s12;
	s12 =	sadd.s32 s19, s3  }
0xc9: {  	v6 =	vld [tilespmem:s22+$0x10];
	s10 =	sadd.s32 s8, s15;
	s15 =	sadd.s32 s24, s3;
	s12 =	sadd.s32 s8, s12  }
0xca: {  	v7 =	vld [tilespmem:s22+$0x0];
	s16 =	sadd.s32 s25, s3;
	s18 =	sadd.s32 s8, s15;
	s15 =	sadd.s32 s8, s27;
	[tilespmem:s12+$0x0 ss:$0x81] =	vst.msk $0xffff, v1  }
0xcb: {  	s16 =	sadd.s32 s8, s16;
	[tilespmem:s15+$0x0 ss:$0x81] =	vst.msk $0xffff, v2  }
0xcc: {  	[tilespmem:s16+$0x0 ss:$0x81] =	vst.msk $0xffff, v4  }
0xcd: {  	[tilespmem:s18+$0x0 ss:$0x81] =	vst.msk $0xffff, v5  }
0xce: {  	v0 =	vld [tilespmem:s22+$0x70];
	[tilespmem:s10+$0x0 ss:$0x81] =	vst.msk $0xffff, v6  }
0xcf: {  	p2 =	sgt.s32 s31, $0x100;
	v3 =	vld [tilespmem:s22+$0x60];
	[tilespmem:s13+$0x0 ss:$0x81] =	vst.msk $0xffff, v7  }
.Ltmp12:
0xd0: {  	[tilespmem:s13+$0x0 ss:$0x81] =	vst.msk $0xffff, v7;
	(pc) =	sbr.rel @!p2 .LBB1_11-.Ltmp12, $4  }
0xd1: {  	s27 =	sadd.s32 s11, s3;
	s3 =	sadd.s32 s14, s3;
	[tilespmem:s10+$0x0 ss:$0x81] =	vst.msk $0xffff, v6  }
0xd2: {  	s3 =	sadd.s32 s8, s3;
	[tilespmem:s18+$0x0 ss:$0x81] =	vst.msk $0xffff, v5  }
0xd3: {  	s27 =	sadd.s32 s8, s27;
	[tilespmem:s3+$0x0 ss:$0x81] =	vst.msk $0xffff, v0  }
0xd4: {  	s28 =	simm.s32 $0x100;
	[tilespmem:s27+$0x0 ss:$0x81] =	vst.msk $0xffff, v3  }
.LBB1_10:
0xd5: {  	v5 =	vld [tilespmem:s22+$0x70];
	[tilespmem:s16+$0x0 ss:$0x81] =	vst.msk $0xffff, v4  }
0xd6: {  	v6 =	vld [tilespmem:s22+$0x60];
	[tilespmem:s15+$0x0 ss:$0x81] =	vst.msk $0xffff, v2  }
0xd7: {  	[tilespmem:s12+$0x0 ss:$0x81] =	vst.msk $0xffff, v1;
	v1 =	vld [tilespmem:s22+$0x50]  }
0xd8: {  	v2 =	vld [tilespmem:s22+$0x40];
	[tilespmem:s27+$0x0 ss:$0x81] =	vst.msk $0xffff, v3  }
0xd9: {  	v4 =	vld [tilespmem:s22+$0x30];
	[tilespmem:s3+$0x0 ss:$0x81] =	vst.msk $0xffff, v0  }
0xda: {  	v7 =	vld [tilespmem:s22+$0x20];
	[tilespmem:s3+$0x0 ss:$0x81] =	vst.msk $0xffff, v5;
	v0 =	vmov v5  }
0xdb: {  	v5 =	vld [tilespmem:s22+$0x10];
	[tilespmem:s27+$0x0 ss:$0x81] =	vst.msk $0xffff, v6;
	v3 =	vmov v6  }
0xdc: {  	s28 =	sadd.s32 $0x100, s28;
	v6 =	vld [tilespmem:s22+$0x0];
	[tilespmem:s12+$0x0 ss:$0x81] =	vst.msk $0xffff, v1  }
0xdd: {  	p2 =	slt.s32 s28, s31;
	[tilespmem:s15+$0x0 ss:$0x81] =	vst.msk $0xffff, v2  }
0xde: {  	[tilespmem:s16+$0x0 ss:$0x81] =	vst.msk $0xffff, v4  }
0xdf: {  	[tilespmem:s18+$0x0 ss:$0x81] =	vst.msk $0xffff, v7  }
.Ltmp13:
0xe0: {  	[tilespmem:s10+$0x0 ss:$0x81] =	vst.msk $0xffff, v5;
	(pc) =	sbr.rel @p2 .LBB1_10-.Ltmp13, $4  }
0xe1: {  	[tilespmem:s13+$0x0 ss:$0x81] =	vst.msk $0xffff, v6  }
0xe2: {  	[tilespmem:s13+$0x0 ss:$0x81] =	vst.msk $0xffff, v6  }
0xe3: {  	[tilespmem:s10+$0x0 ss:$0x81] =	vst.msk $0xffff, v5  }
0xe4: {  	[tilespmem:s18+$0x0 ss:$0x81] =	vst.msk $0xffff, v7  }
.LBB1_11:
0xe5: {  	[tilespmem:s16+$0x0 ss:$0x81] =	vst.msk $0xffff, v4  }
0xe6: {  	[tilespmem:s15+$0x0 ss:$0x81] =	vst.msk $0xffff, v2  }
0xe7: {  	[tilespmem:s12+$0x0 ss:$0x81] =	vst.msk $0xffff, v1  }
0xe8: {  	[tilespmem:s27+$0x0 ss:$0x81] =	vst.msk $0xffff, v3  }
0xe9: {  	[tilespmem:s3+$0x0 ss:$0x81] =	vst.msk $0xffff, v0  }
.LBB1_12:
.Ltmp14:
0xea: {  	(pc) =	sbr.rel @p1 .LBB1_15-.Ltmp14, $1  }
0xeb: {  	_ =	sdelay $0x3  }
0xec: {  	s10 =	sand.u32 $0x80, s17  }
0xed: {  	s3 =	smul.u32 $0x10200, s21;
	s10 =	sadd.s32 s10, s1  }
0xee: {  	v0 =	vmov s10  }
0xef: {  	s3 =	sshra.s32 s3, $0x2  }
0xf0: {  	s10 =	smov.u32 s31;
	s3 =	sadd.s32 s3, s2  }
.LBB1_14:
0xf1: {  	s13 =	sadd.s32 s10, s6  }
0xf2: {  	s12 =	sand.u32 $0x70, s10;
	s10 =	sadd.s32 $0x10, s10;
	s28 =	sand.u32 $0x78, s13  }
0xf3: {  	v1 =	vld.idx.msk [tilespmem:v0+s12+$0x0 ss:$0x1], $0xffff;
	p2 =	slt.s32 s10, s30;
	s12 =	smul.u32 $0x204, s28  }
.Ltmp15:
0xf4: {  	_ = 	snop;
	(pc) =	sbr.rel @p2 .LBB1_14-.Ltmp15, $4  }
0xf5: {  	_ = 	snop  }
0xf6: {  	s12 =	sshrl.u32 s12, $0x2  }
0xf7: {  	s12 =	sadd.s32 s12, s3  }
0xf8: {  	[tilespmem:s12+$0x0 ss:$0x81] =	vst.msk $0xffff, v1  }
.Ltmp16:
0xf9: {  	_ = 	snop;
	(pc) =	sbr.rel .LBB1_15-.Ltmp16, $1  }
0xfa: {  	_ =	sdelay $0x3  }
.LBB1_20:
0xfb: {  	_ =	sfence.sel $0x180000  }
0xfc: {  	s0 =	simm.s32 $0x1;
	[bflag:$0x0] =	sbarrier.arrive $0xFFFF  }
0xfd: {  	s30 =	simm.s32 $0x2;
	[sflag:s0] =	ssyncpa.u1 $0x1  }
0xfe: {  	[sflag:s30] =	ssyncpa.u1 $0x1  }
0xff: {  	_ =	strace $0x90000047  }
0x100: {  	s31 =	stileid.u32;
	[bflag:$0x2] =	sbarrier.arrive $0xFFFF  }
0x101: {  	p0 =	sne.s32 s31, $0x0;
	s0 =	rddreg [dreg:$0x2]  }
0x102: {  	s0 =	sadd.s32 @!p0 $0x100000, s0  }
0x103: {  	[sflag:s0] =	ssyncadd.tile.s32 @!p0 $0x1;
	_ =	shalt  }
.Lfunc_end1:
_tile_overlayer_lowered:
.L_overlay_start_2:
0x104: {  	(tag) =	ssettag $0x2  }
0x105: {  	s0 =	rddreg [dreg:$0x0];
	s2 =	stileid.u32  }
0x106: {  	s1 =	rddreg [dreg:$0x1];
	p0 =	sne.s32 s2, $0x0  }
0x107: {  	s3 =	rddreg [dreg:$0x2];
	[bflag:$0x3] =	sbarrier.arrive $0xFFFF;
	s2 =	simm.s32 @!p0 $0x1C01  }
0x108: {  	[timem:s3], [sflag:s2] =	dma.local @!p0 [hbm:s0], s1  }
0x109: {  	s0 =	simm.s32 @!p0 $0x1  }
0x10a: {  	_ =	swait.ge @!p0 [sflag:s0], s1  }
0x10b: {  	s1 =	ssub.s32 @!p0 $0x0, s1;
	[sflag:s0] =	ssyncset.done @!p0 $0x0  }
0x10c: {  	[sflag:s0] =	ssyncadd.s32 @!p0 s1  }
0x10d: {  	[bflag:$0x3] =	sbarrier.arrive $0xFFFF  }
0x10e: {  	_ =	shalt  }

</sc_bundles>
